<compile_context>
chip_gen: v7x
topology: tpu7x:2x2x1
jax: 0.10.2.dev20260603
libtpu: 0.0.44.dev20260713+nightly
codegen_flags: <defaults>
</compile_context>

<pallas_src>
import functools

import jax
import jax.numpy as jnp
from jax import lax
from jax.experimental import pallas as pl
from jax.experimental.pallas import tpu as pltpu
from jax.experimental.pallas import tpu_sc as plsc

_NWORKERS = 32
_CHUNK = 64
_BT = 1024
_LN_EPS = 1e-12



@functools.lru_cache(maxsize=None)
def _build_gather(n_tok, hidden):
    spw = n_tok // _NWORKERS
    n_pairs = spw // (2 * _CHUNK)
    mesh = plsc.VectorSubcoreMesh(core_axis_name="c", subcore_axis_name="s")
    buf_t = pltpu.VMEM((_CHUNK, hidden), jnp.float32)

    @functools.partial(
        pl.kernel,
        out_type=jax.ShapeDtypeStruct((n_tok, hidden), jnp.float32),
        mesh=mesh,
        compiler_params=pltpu.CompilerParams(needs_layout_passes=False),
        scratch_types=[
            pltpu.VMEM((spw,), jnp.int32),
            buf_t, buf_t,
            pltpu.SemaphoreType.DMA,
            pltpu.SemaphoreType.DMA,
        ],
    )
    def gather_kernel(ids_hbm, wemb, out_hbm, ids_v, wa, wb, sem_g, sem_o):
        wid = lax.axis_index("s") * mesh.num_cores + lax.axis_index("c")
        base = wid * spw
        pltpu.sync_copy(ids_hbm.at[pl.ds(base, spw)], ids_v)

        def issue(c, w):
            off = pl.multiple_of(c * _CHUNK, _CHUNK)
            for h in range(_CHUNK // 16):
                pltpu.async_copy(wemb.at[ids_v[pl.ds(off + h * 16, 16)]],
                                 w.at[pl.ds(h * 16, 16)], sem_g)

        def wait_gather(w):
            pltpu.make_async_copy(wemb.at[pl.ds(0, _CHUNK)], w, sem_g).wait()

        def writeback(c, w):
            off = pl.multiple_of(c * _CHUNK, _CHUNK)
            pltpu.async_copy(w, out_hbm.at[pl.ds(base + off, _CHUNK)], sem_o)

        def drain_out(w):
            pltpu.make_async_copy(wemb.at[pl.ds(0, _CHUNK)], w, sem_o).wait()

        issue(0, wa)

        def pair_body(cp, carry):
            c0 = cp * 2
            wait_gather(wa)

            @pl.when(cp > 0)
            def _():
                drain_out(wb)
            issue(c0 + 1, wb)
            writeback(c0, wa)
            wait_gather(wb)

            @pl.when(cp + 1 < n_pairs)
            def _():
                drain_out(wa)
                issue(c0 + 2, wa)
            writeback(c0 + 1, wb)
            return carry

        lax.fori_loop(0, n_pairs, pair_body, 0)
        drain_out(wa)
        drain_out(wb)

    return gather_kernel



def _ln_body(wrows_ref, pos_ref, ttf_ref, kkf_ref, temb_ref, kemb_ref,
             gamma_ref, beta_ref, out_ref):
    ttf = ttf_ref[...]
    kkf = kkf_ref[...]
    t0 = temb_ref[0, :]
    t1 = temb_ref[1, :]
    k0 = kemb_ref[0, :]
    k1 = kemb_ref[1, :]
    k2 = kemb_ref[2, :]
    base = wrows_ref[...] + pos_ref[...] + (t0 + k0)[None, :]
    v = (base
         + ttf * (t1 - t0)[None, :]
         + kkf * (k1 - k0)[None, :]
         + (kkf * (kkf - 1.0) * 0.5) * (k2 - 2.0 * k1 + k0)[None, :])
    mean = jnp.mean(v, axis=-1, keepdims=True)
    cv = v - mean
    var = jnp.mean(cv * cv, axis=-1, keepdims=True)
    rstd = lax.rsqrt(var + _LN_EPS)
    out_ref[...] = cv * rstd * gamma_ref[...] + beta_ref[...]


@functools.lru_cache(maxsize=None)
def _build_ln(n_tok, seq_len, hidden):
    s_blocks = seq_len // _BT
    n_batch = n_tok // seq_len

    def tok(si, bi):
        return (bi * s_blocks + si, 0)

    return pl.pallas_call(
        _ln_body,
        grid=(s_blocks, n_batch),
        in_specs=[
            pl.BlockSpec((_BT, hidden), tok),
            pl.BlockSpec((_BT, hidden), lambda si, bi: (si, 0)),
            pl.BlockSpec((_BT, 1), tok),
            pl.BlockSpec((_BT, 1), tok),
            pl.BlockSpec((2, hidden), lambda si, bi: (0, 0)),
            pl.BlockSpec((3, hidden), lambda si, bi: (0, 0)),
            pl.BlockSpec((1, hidden), lambda si, bi: (0, 0)),
            pl.BlockSpec((1, hidden), lambda si, bi: (0, 0)),
        ],
        out_specs=pl.BlockSpec((_BT, hidden), tok),
        out_shape=jax.ShapeDtypeStruct((n_tok, hidden), jnp.float32),
    )


def kernel(input_ids, token_type_ids, task_type_ids, word_emb, pos_emb,
           type_emb, task_emb, ln_gamma, ln_beta):
    b, s = input_ids.shape
    hidden = word_emb.shape[1]
    n_tok = b * s
    wrows = _build_gather(n_tok, hidden)(
        input_ids.reshape(-1).astype(jnp.int32), word_emb)
    out = _build_ln(n_tok, s, hidden)(
        wrows,
        pos_emb,
        token_type_ids.reshape(-1, 1).astype(jnp.float32),
        task_type_ids.reshape(-1, 1).astype(jnp.float32),
        type_emb,
        task_emb,
        ln_gamma.reshape(1, -1),
        ln_beta.reshape(1, -1),
    )
    return out.reshape(b, s, hidden)

# --- scband reference (transcript-rebuilt; emitter-appended) ---
"""Pipeline reference for scband-tie-23227183136865 (READ-ONLY COPY).

The authoritative reference and input builder live on the scoring server;
editing this copy changes nothing except your own understanding.
"""

import jax, jax.numpy as jnp
import numpy as np

VOCAB = 100000
HIDDEN = 768
MAX_POS = 2048
TYPE_VOCAB = 2
TASK_VOCAB = 3
B, S = 4, 2048
LN_EPS = 1e-12


def setup_inputs(seed: int = 0) -> dict:
    key = jax.random.key(seed)
    ks = jax.random.split(key, 8)
    input_ids = jax.random.randint(ks[0], (B, S), 0, VOCAB, dtype=jnp.int64) if jax.config.jax_enable_x64 else jax.random.randint(ks[0], (B, S), 0, VOCAB, dtype=jnp.int32)
    token_type_ids = jax.random.randint(ks[1], (B, S), 0, TYPE_VOCAB, dtype=input_ids.dtype)
    task_type_ids = jax.random.randint(ks[2], (B, S), 0, TASK_VOCAB, dtype=input_ids.dtype)
    word_emb = jax.random.normal(ks[3], (VOCAB, HIDDEN), dtype=jnp.float32) * 0.02
    pos_emb = jax.random.normal(ks[4], (MAX_POS, HIDDEN), dtype=jnp.float32) * 0.02
    type_emb = jax.random.normal(ks[5], (TYPE_VOCAB, HIDDEN), dtype=jnp.float32) * 0.02
    task_emb = jax.random.normal(ks[6], (TASK_VOCAB, HIDDEN), dtype=jnp.float32) * 0.02
    ln_gamma = jnp.ones((HIDDEN,), dtype=jnp.float32)
    ln_beta = jnp.zeros((HIDDEN,), dtype=jnp.float32)
    return {
        "input_ids": input_ids,
        "token_type_ids": token_type_ids,
        "task_type_ids": task_type_ids,
        "word_emb": word_emb,
        "pos_emb": pos_emb,
        "type_emb": type_emb,
        "task_emb": task_emb,
        "ln_gamma": ln_gamma,
        "ln_beta": ln_beta,
    }


def reference(input_ids, token_type_ids, task_type_ids, word_emb, pos_emb, type_emb, task_emb, ln_gamma, ln_beta):
    seq_len = input_ids.shape[1]
    # word embedding lookup (gather)
    inputs_embeds = jnp.take(word_emb, input_ids, axis=0)
    # token type embedding lookup
    token_type_embeddings = jnp.take(type_emb, token_type_ids, axis=0)
    embeddings = inputs_embeds + token_type_embeddings
    # absolute position embeddings (past_key_values_length=0)
    position_ids = jnp.arange(seq_len)
    position_embeddings = jnp.take(pos_emb, position_ids, axis=0)[None, :, :]
    embeddings = embeddings + position_embeddings
    # task type embedding lookup (use_task_id=True)
    task_type_embeddings = jnp.take(task_emb, task_type_ids, axis=0)
    embeddings = embeddings + task_type_embeddings
    # LayerNorm (eval mode, dropout is identity)
    mean = jnp.mean(embeddings, axis=-1, keepdims=True)
    var = jnp.mean(jnp.square(embeddings - mean), axis=-1, keepdims=True)
    normed = (embeddings - mean) / jnp.sqrt(var + LN_EPS)
    out = normed * ln_gamma + ln_beta
    return out

if __name__ == "__main__":
    import jax
    _d = setup_inputs()
    print(jax.jit(kernel)(*tuple(_d.values())))

</pallas_src>

<mosaic_0001>
#map = affine_map<(d0, d1) -> (0)>
#map1 = affine_map<(d0, d1) -> (0, 0)>
module attributes {stable_mosaic.version = 14 : i64} {
  func.func @gather_kernel(%arg0: i32, %arg1: i32, %arg2: memref<8192xi32, #tpu.memory_space<hbm>>, %arg3: memref<100000x768xf32, #tpu.memory_space<hbm>>, %arg4: memref<8192x768xf32, #tpu.memory_space<hbm>>, %arg5: memref<256xi32, #tpu.memory_space<vmem>>, %arg6: memref<64x768xf32, #tpu.memory_space<vmem>>, %arg7: memref<64x768xf32, #tpu.memory_space<vmem>>, %arg8: memref<!tpu.dma_semaphore, #tpu.memory_space<semaphore_mem>>, %arg9: memref<!tpu.dma_semaphore, #tpu.memory_space<semaphore_mem>>) attributes {dimension_semantics = [#tpu.dimension_semantics<core_parallel>, #tpu.dimension_semantics<subcore_parallel>], iteration_bounds = array<i64: 2, 16>, scalar_prefetch = 0 : i64, scratch_operands = 5 : i64, tpu.core_type = #tpu.core_type<sc_vector_subcore>, window_params = [{transform_indices = #map}, {transform_indices = #map1}, {transform_indices = #map1}]} {
    %mul3A = arith.constant 2 : i32
    %mul3A_0 = arith.muli %arg1, %mul3A : i32
    %add3A = arith.addi %mul3A_0, %arg0 : i32
    %mul3A_1 = arith.constant 256 : i32
    %mul3A_2 = arith.muli %add3A, %mul3A_1 : i32
    "tpu.region"() ({
      %run_scoped3A = tpu.sem_alloc : memref<!tpu.dma_semaphore, #tpu.memory_space<semaphore_mem>>
      %dma_start3A_58 = tpu.memref_slice %arg2[%mul3A_2] : memref<8192xi32, #tpu.memory_space<hbm>> -> memref<256xi32, #tpu.memory_space<hbm>>
      %dma_start3A_59 = tpu.memref_slice %arg2[%mul3A_2] : memref<8192xi32, #tpu.memory_space<hbm>> -> memref<256xi32, #tpu.memory_space<hbm>>
      tpu.enqueue_dma source(%dma_start3A_59 : memref<256xi32, #tpu.memory_space<hbm>>) target(%arg5 : memref<256xi32, #tpu.memory_space<vmem>>) target_semaphore(%run_scoped3A : memref<!tpu.dma_semaphore, #tpu.memory_space<semaphore_mem>>)
      %dma_wait3A_60 = tpu.memref_slice %arg2[%mul3A_2] : memref<8192xi32, #tpu.memory_space<hbm>> -> memref<256xi32, #tpu.memory_space<hbm>>
      %dma_wait3A_61 = tpu.memref_slice %arg2[%mul3A_2] : memref<8192xi32, #tpu.memory_space<hbm>> -> memref<256xi32, #tpu.memory_space<hbm>>
      tpu.wait_dma2 semaphore(%run_scoped3A : memref<!tpu.dma_semaphore, #tpu.memory_space<semaphore_mem>>) src(%dma_wait3A_61 : memref<256xi32, #tpu.memory_space<hbm>>) dst(%arg5 : memref<256xi32, #tpu.memory_space<vmem>>)
      tpu.yield
    }) : () -> ()
    %multiple_of3A = arith.constant 0 : i32
    %multiple_of3A_3 = tpu.assume_multiple %multiple_of3A, 64 : i32
    %add3A_4 = arith.constant 0 : i32
    %add3A_5 = arith.addi %multiple_of3A_3, %add3A_4 : i32
    %get3A = arith.index_cast %add3A_5 : i32 to index
    %get3A_6 = tpu.vector_load %arg5[%get3A] {strides = array<i32>} : memref<256xi32, #tpu.memory_space<vmem>>, vector<16xi32>,
    %dma_start3A = arith.constant 0 : i32
    %dma_start3A_7 = arith.constant 0 : i32
    %dma_start3A_8 = tpu.memref_slice %arg6[%dma_start3A, %dma_start3A_7] : memref<64x768xf32, #tpu.memory_space<vmem>> -> memref<16x768xf32, #tpu.memory_space<vmem>>
    %dma_start3A_9 = arith.constant 0 : i32
    %dma_start3A_10 = arith.constant 0 : i32
    %dma_start3A_11 = tpu.memref_slice %arg3[%dma_start3A_9, %dma_start3A_10] : memref<100000x768xf32, #tpu.memory_space<hbm>> -> memref<100000x768xf32, #tpu.memory_space<hbm>>
    tpu.enqueue_indirect_dma source(%dma_start3A_11 : memref<100000x768xf32, #tpu.memory_space<hbm>>) target(%dma_start3A_8 : memref<16x768xf32, #tpu.memory_space<vmem>>) offsets(%get3A_6 : vector<16xi32>) semaphore(%arg8 : memref<!tpu.dma_semaphore, #tpu.memory_space<semaphore_mem>>)
    %add3A_12 = arith.constant 16 : i32
    %add3A_13 = arith.addi %multiple_of3A_3, %add3A_12 : i32
    %get3A_14 = arith.index_cast %add3A_13 : i32 to index
    %get3A_15 = tpu.vector_load %arg5[%get3A_14] {strides = array<i32>} : memref<256xi32, #tpu.memory_space<vmem>>, vector<16xi32>,
    %dma_start3A_16 = arith.constant 16 : i32
    %dma_start3A_17 = arith.constant 0 : i32
    %dma_start3A_18 = tpu.memref_slice %arg6[%dma_start3A_16, %dma_start3A_17] : memref<64x768xf32, #tpu.memory_space<vmem>> -> memref<16x768xf32, #tpu.memory_space<vmem>>
    %dma_start3A_19 = arith.constant 0 : i32
    %dma_start3A_20 = arith.constant 0 : i32
    %dma_start3A_21 = tpu.memref_slice %arg3[%dma_start3A_19, %dma_start3A_20] : memref<100000x768xf32, #tpu.memory_space<hbm>> -> memref<100000x768xf32, #tpu.memory_space<hbm>>
    tpu.enqueue_indirect_dma source(%dma_start3A_21 : memref<100000x768xf32, #tpu.memory_space<hbm>>) target(%dma_start3A_18 : memref<16x768xf32, #tpu.memory_space<vmem>>) offsets(%get3A_15 : vector<16xi32>) semaphore(%arg8 : memref<!tpu.dma_semaphore, #tpu.memory_space<semaphore_mem>>)
    %add3A_22 = arith.constant 32 : i32
    %add3A_23 = arith.addi %multiple_of3A_3, %add3A_22 : i32
    %get3A_24 = arith.index_cast %add3A_23 : i32 to index
    %get3A_25 = tpu.vector_load %arg5[%get3A_24] {strides = array<i32>} : memref<256xi32, #tpu.memory_space<vmem>>, vector<16xi32>,
    %dma_start3A_26 = arith.constant 32 : i32
    %dma_start3A_27 = arith.constant 0 : i32
    %dma_start3A_28 = tpu.memref_slice %arg6[%dma_start3A_26, %dma_start3A_27] : memref<64x768xf32, #tpu.memory_space<vmem>> -> memref<16x768xf32, #tpu.memory_space<vmem>>
    %dma_start3A_29 = arith.constant 0 : i32
    %dma_start3A_30 = arith.constant 0 : i32
    %dma_start3A_31 = tpu.memref_slice %arg3[%dma_start3A_29, %dma_start3A_30] : memref<100000x768xf32, #tpu.memory_space<hbm>> -> memref<100000x768xf32, #tpu.memory_space<hbm>>
    tpu.enqueue_indirect_dma source(%dma_start3A_31 : memref<100000x768xf32, #tpu.memory_space<hbm>>) target(%dma_start3A_28 : memref<16x768xf32, #tpu.memory_space<vmem>>) offsets(%get3A_25 : vector<16xi32>) semaphore(%arg8 : memref<!tpu.dma_semaphore, #tpu.memory_space<semaphore_mem>>)
    %add3A_32 = arith.constant 48 : i32
    %add3A_33 = arith.addi %multiple_of3A_3, %add3A_32 : i32
    %get3A_34 = arith.index_cast %add3A_33 : i32 to index
    %get3A_35 = tpu.vector_load %arg5[%get3A_34] {strides = array<i32>} : memref<256xi32, #tpu.memory_space<vmem>>, vector<16xi32>,
    %dma_start3A_36 = arith.constant 48 : i32
    %dma_start3A_37 = arith.constant 0 : i32
    %dma_start3A_38 = tpu.memref_slice %arg6[%dma_start3A_36, %dma_start3A_37] : memref<64x768xf32, #tpu.memory_space<vmem>> -> memref<16x768xf32, #tpu.memory_space<vmem>>
    %dma_start3A_39 = arith.constant 0 : i32
    %dma_start3A_40 = arith.constant 0 : i32
    %dma_start3A_41 = tpu.memref_slice %arg3[%dma_start3A_39, %dma_start3A_40] : memref<100000x768xf32, #tpu.memory_space<hbm>> -> memref<100000x768xf32, #tpu.memory_space<hbm>>
    tpu.enqueue_indirect_dma source(%dma_start3A_41 : memref<100000x768xf32, #tpu.memory_space<hbm>>) target(%dma_start3A_38 : memref<16x768xf32, #tpu.memory_space<vmem>>) offsets(%get3A_35 : vector<16xi32>) semaphore(%arg8 : memref<!tpu.dma_semaphore, #tpu.memory_space<semaphore_mem>>)
    %scan3A = arith.constant 0 : i32
    %scan3A_42 = arith.constant 0 : i32
    %scan3A_43 = arith.constant 2 : i32
    %scan3A_44 = arith.addi %scan3A_42, %scan3A_43 : i32
    %scan3A_45 = arith.constant 1 : i32
    scf.for %scan3A_58 = %scan3A_42 to %scan3A_44 step %scan3A_45  : i32 {
      %mul3A_59 = arith.constant 2 : i32
      %mul3A_60 = arith.muli %scan3A_58, %mul3A_59 : i32
      %dma_wait3A_61 = arith.constant 0 : i32
      %dma_wait3A_62 = arith.constant 0 : i32
      %dma_wait3A_63 = tpu.memref_slice %arg3[%dma_wait3A_61, %dma_wait3A_62] : memref<100000x768xf32, #tpu.memory_space<hbm>> -> memref<64x768xf32, #tpu.memory_space<hbm>>
      %dma_wait3A_64 = arith.constant 0 : i32
      %dma_wait3A_65 = arith.constant 0 : i32
      %dma_wait3A_66 = tpu.memref_slice %arg3[%dma_wait3A_64, %dma_wait3A_65] : memref<100000x768xf32, #tpu.memory_space<hbm>> -> memref<64x768xf32, #tpu.memory_space<hbm>>
      tpu.wait_dma2 semaphore(%arg8 : memref<!tpu.dma_semaphore, #tpu.memory_space<semaphore_mem>>) src(%dma_wait3A_66 : memref<64x768xf32, #tpu.memory_space<hbm>>) dst(%arg6 : memref<64x768xf32, #tpu.memory_space<vmem>>)
      %gt3A = arith.constant 0 : i32
      %gt3A_67 = arith.cmpi sgt, %scan3A_58, %gt3A : i32
      %convert_element_type3A = arith.extui %gt3A_67 : i1 to i32
      %cond3A = arith.constant 0 : i32
      %cond3A_68 = arith.cmpi ne, %convert_element_type3A, %cond3A : i32
      scf.if %cond3A_68 {
        %dma_wait3A_144 = arith.constant 0 : i32
        %dma_wait3A_145 = arith.constant 0 : i32
        %dma_wait3A_146 = tpu.memref_slice %arg3[%dma_wait3A_144, %dma_wait3A_145] : memref<100000x768xf32, #tpu.memory_space<hbm>> -> memref<64x768xf32, #tpu.memory_space<hbm>>
        %dma_wait3A_147 = arith.constant 0 : i32
        %dma_wait3A_148 = arith.constant 0 : i32
        %dma_wait3A_149 = tpu.memref_slice %arg3[%dma_wait3A_147, %dma_wait3A_148] : memref<100000x768xf32, #tpu.memory_space<hbm>> -> memref<64x768xf32, #tpu.memory_space<hbm>>
        tpu.wait_dma2 semaphore(%arg9 : memref<!tpu.dma_semaphore, #tpu.memory_space<semaphore_mem>>) src(%dma_wait3A_149 : memref<64x768xf32, #tpu.memory_space<hbm>>) dst(%arg7 : memref<64x768xf32, #tpu.memory_space<vmem>>)
      } else {
      }
      %add3A_69 = arith.constant 1 : i32
      %add3A_70 = arith.addi %mul3A_60, %add3A_69 : i32
      %mul3A_71 = arith.constant 64 : i32
      %mul3A_72 = arith.muli %add3A_70, %mul3A_71 : i32
      %multiple_of3A_73 = tpu.assume_multiple %mul3A_72, 64 : i32
      %add3A_74 = arith.constant 0 : i32
      %add3A_75 = arith.addi %multiple_of3A_73, %add3A_74 : i32
      %get3A_76 = arith.index_cast %add3A_75 : i32 to index
      %get3A_77 = tpu.vector_load %arg5[%get3A_76] {strides = array<i32>} : memref<256xi32, #tpu.memory_space<vmem>>, vector<16xi32>,
      %dma_start3A_78 = arith.constant 0 : i32
      %dma_start3A_79 = arith.constant 0 : i32
      %dma_start3A_80 = tpu.memref_slice %arg7[%dma_start3A_78, %dma_start3A_79] : memref<64x768xf32, #tpu.memory_space<vmem>> -> memref<16x768xf32, #tpu.memory_space<vmem>>
      %dma_start3A_81 = arith.constant 0 : i32
      %dma_start3A_82 = arith.constant 0 : i32
      %dma_start3A_83 = tpu.memref_slice %arg3[%dma_start3A_81, %dma_start3A_82] : memref<100000x768xf32, #tpu.memory_space<hbm>> -> memref<100000x768xf32, #tpu.memory_space<hbm>>
      tpu.enqueue_indirect_dma source(%dma_start3A_83 : memref<100000x768xf32, #tpu.memory_space<hbm>>) target(%dma_start3A_80 : memref<16x768xf32, #tpu.memory_space<vmem>>) offsets(%get3A_77 : vector<16xi32>) semaphore(%arg8 : memref<!tpu.dma_semaphore, #tpu.memory_space<semaphore_mem>>)
      %add3A_84 = arith.constant 16 : i32
      %add3A_85 = arith.addi %multiple_of3A_73, %add3A_84 : i32
      %get3A_86 = arith.index_cast %add3A_85 : i32 to index
      %get3A_87 = tpu.vector_load %arg5[%get3A_86] {strides = array<i32>} : memref<256xi32, #tpu.memory_space<vmem>>, vector<16xi32>,
      %dma_start3A_88 = arith.constant 16 : i32
      %dma_start3A_89 = arith.constant 0 : i32
      %dma_start3A_90 = tpu.memref_slice %arg7[%dma_start3A_88, %dma_start3A_89] : memref<64x768xf32, #tpu.memory_space<vmem>> -> memref<16x768xf32, #tpu.memory_space<vmem>>
      %dma_start3A_91 = arith.constant 0 : i32
      %dma_start3A_92 = arith.constant 0 : i32
      %dma_start3A_93 = tpu.memref_slice %arg3[%dma_start3A_91, %dma_start3A_92] : memref<100000x768xf32, #tpu.memory_space<hbm>> -> memref<100000x768xf32, #tpu.memory_space<hbm>>
      tpu.enqueue_indirect_dma source(%dma_start3A_93 : memref<100000x768xf32, #tpu.memory_space<hbm>>) target(%dma_start3A_90 : memref<16x768xf32, #tpu.memory_space<vmem>>) offsets(%get3A_87 : vector<16xi32>) semaphore(%arg8 : memref<!tpu.dma_semaphore, #tpu.memory_space<semaphore_mem>>)
      %add3A_94 = arith.constant 32 : i32
      %add3A_95 = arith.addi %multiple_of3A_73, %add3A_94 : i32
      %get3A_96 = arith.index_cast %add3A_95 : i32 to index
      %get3A_97 = tpu.vector_load %arg5[%get3A_96] {strides = array<i32>} : memref<256xi32, #tpu.memory_space<vmem>>, vector<16xi32>,
      %dma_start3A_98 = arith.constant 32 : i32
      %dma_start3A_99 = arith.constant 0 : i32
      %dma_start3A_100 = tpu.memref_slice %arg7[%dma_start3A_98, %dma_start3A_99] : memref<64x768xf32, #tpu.memory_space<vmem>> -> memref<16x768xf32, #tpu.memory_space<vmem>>
      %dma_start3A_101 = arith.constant 0 : i32
      %dma_start3A_102 = arith.constant 0 : i32
      %dma_start3A_103 = tpu.memref_slice %arg3[%dma_start3A_101, %dma_start3A_102] : memref<100000x768xf32, #tpu.memory_space<hbm>> -> memref<100000x768xf32, #tpu.memory_space<hbm>>
      tpu.enqueue_indirect_dma source(%dma_start3A_103 : memref<100000x768xf32, #tpu.memory_space<hbm>>) target(%dma_start3A_100 : memref<16x768xf32, #tpu.memory_space<vmem>>) offsets(%get3A_97 : vector<16xi32>) semaphore(%arg8 : memref<!tpu.dma_semaphore, #tpu.memory_space<semaphore_mem>>)
      %add3A_104 = arith.constant 48 : i32
      %add3A_105 = arith.addi %multiple_of3A_73, %add3A_104 : i32
      %get3A_106 = arith.index_cast %add3A_105 : i32 to index
      %get3A_107 = tpu.vector_load %arg5[%get3A_106] {strides = array<i32>} : memref<256xi32, #tpu.memory_space<vmem>>, vector<16xi32>,
      %dma_start3A_108 = arith.constant 48 : i32
      %dma_start3A_109 = arith.constant 0 : i32
      %dma_start3A_110 = tpu.memref_slice %arg7[%dma_start3A_108, %dma_start3A_109] : memref<64x768xf32, #tpu.memory_space<vmem>> -> memref<16x768xf32, #tpu.memory_space<vmem>>
      %dma_start3A_111 = arith.constant 0 : i32
      %dma_start3A_112 = arith.constant 0 : i32
      %dma_start3A_113 = tpu.memref_slice %arg3[%dma_start3A_111, %dma_start3A_112] : memref<100000x768xf32, #tpu.memory_space<hbm>> -> memref<100000x768xf32, #tpu.memory_space<hbm>>
      tpu.enqueue_indirect_dma source(%dma_start3A_113 : memref<100000x768xf32, #tpu.memory_space<hbm>>) target(%dma_start3A_110 : memref<16x768xf32, #tpu.memory_space<vmem>>) offsets(%get3A_107 : vector<16xi32>) semaphore(%arg8 : memref<!tpu.dma_semaphore, #tpu.memory_space<semaphore_mem>>)
      %mul3A_114 = arith.constant 64 : i32
      %mul3A_115 = arith.muli %mul3A_60, %mul3A_114 : i32
      %multiple_of3A_116 = tpu.assume_multiple %mul3A_115, 64 : i32
      %add3A_117 = arith.addi %mul3A_2, %multiple_of3A_116 : i32
      %dma_start3A_118 = arith.constant 0 : i32
      %dma_start3A_119 = tpu.memref_slice %arg4[%add3A_117, %dma_start3A_118] : memref<8192x768xf32, #tpu.memory_space<hbm>> -> memref<64x768xf32, #tpu.memory_space<hbm>>
      %dma_start3A_120 = arith.constant 0 : i32
      %dma_start3A_121 = tpu.memref_slice %arg4[%add3A_117, %dma_start3A_120] : memref<8192x768xf32, #tpu.memory_space<hbm>> -> memref<64x768xf32, #tpu.memory_space<hbm>>
      tpu.enqueue_dma source(%arg6 : memref<64x768xf32, #tpu.memory_space<vmem>>) target(%dma_start3A_121 : memref<64x768xf32, #tpu.memory_space<hbm>>) target_semaphore(%arg9 : memref<!tpu.dma_semaphore, #tpu.memory_space<semaphore_mem>>)
      %dma_wait3A_122 = arith.constant 0 : i32
      %dma_wait3A_123 = arith.constant 0 : i32
      %dma_wait3A_124 = tpu.memref_slice %arg3[%dma_wait3A_122, %dma_wait3A_123] : memref<100000x768xf32, #tpu.memory_space<hbm>> -> memref<64x768xf32, #tpu.memory_space<hbm>>
      %dma_wait3A_125 = arith.constant 0 : i32
      %dma_wait3A_126 = arith.constant 0 : i32
      %dma_wait3A_127 = tpu.memref_slice %arg3[%dma_wait3A_125, %dma_wait3A_126] : memref<100000x768xf32, #tpu.memory_space<hbm>> -> memref<64x768xf32, #tpu.memory_space<hbm>>
      tpu.wait_dma2 semaphore(%arg8 : memref<!tpu.dma_semaphore, #tpu.memory_space<semaphore_mem>>) src(%dma_wait3A_127 : memref<64x768xf32, #tpu.memory_space<hbm>>) dst(%arg7 : memref<64x768xf32, #tpu.memory_space<vmem>>)
      %add3A_128 = arith.constant 1 : i32
      %add3A_129 = arith.addi %scan3A_58, %add3A_128 : i32
      %lt3A = arith.constant 2 : i32
      %lt3A_130 = arith.cmpi slt, %add3A_129, %lt3A : i32
      %convert_element_type3A_131 = arith.extui %lt3A_130 : i1 to i32
      %cond3A_132 = arith.constant 0 : i32
      %cond3A_133 = arith.cmpi ne, %convert_element_type3A_131, %cond3A_132 : i32
      scf.if %cond3A_133 {
        %dma_wait3A_144 = arith.constant 0 : i32
        %dma_wait3A_145 = arith.constant 0 : i32
        %dma_wait3A_146 = tpu.memref_slice %arg3[%dma_wait3A_144, %dma_wait3A_145] : memref<100000x768xf32, #tpu.memory_space<hbm>> -> memref<64x768xf32, #tpu.memory_space<hbm>>
        %dma_wait3A_147 = arith.constant 0 : i32
        %dma_wait3A_148 = arith.constant 0 : i32
        %dma_wait3A_149 = tpu.memref_slice %arg3[%dma_wait3A_147, %dma_wait3A_148] : memref<100000x768xf32, #tpu.memory_space<hbm>> -> memref<64x768xf32, #tpu.memory_space<hbm>>
        tpu.wait_dma2 semaphore(%arg9 : memref<!tpu.dma_semaphore, #tpu.memory_space<semaphore_mem>>) src(%dma_wait3A_149 : memref<64x768xf32, #tpu.memory_space<hbm>>) dst(%arg6 : memref<64x768xf32, #tpu.memory_space<vmem>>)
        %add3A_150 = arith.constant 2 : i32
        %add3A_151 = arith.addi %mul3A_60, %add3A_150 : i32
        %mul3A_152 = arith.constant 64 : i32
        %mul3A_153 = arith.muli %add3A_151, %mul3A_152 : i32
        %multiple_of3A_154 = tpu.assume_multiple %mul3A_153, 64 : i32
        %add3A_155 = arith.constant 0 : i32
        %add3A_156 = arith.addi %multiple_of3A_154, %add3A_155 : i32
        %get3A_157 = arith.index_cast %add3A_156 : i32 to index
        %get3A_158 = tpu.vector_load %arg5[%get3A_157] {strides = array<i32>} : memref<256xi32, #tpu.memory_space<vmem>>, vector<16xi32>,
        %dma_start3A_159 = arith.constant 0 : i32
        %dma_start3A_160 = arith.constant 0 : i32
        %dma_start3A_161 = tpu.memref_slice %arg6[%dma_start3A_159, %dma_start3A_160] : memref<64x768xf32, #tpu.memory_space<vmem>> -> memref<16x768xf32, #tpu.memory_space<vmem>>
        %dma_start3A_162 = arith.constant 0 : i32
        %dma_start3A_163 = arith.constant 0 : i32
        %dma_start3A_164 = tpu.memref_slice %arg3[%dma_start3A_162, %dma_start3A_163] : memref<100000x768xf32, #tpu.memory_space<hbm>> -> memref<100000x768xf32, #tpu.memory_space<hbm>>
        tpu.enqueue_indirect_dma source(%dma_start3A_164 : memref<100000x768xf32, #tpu.memory_space<hbm>>) target(%dma_start3A_161 : memref<16x768xf32, #tpu.memory_space<vmem>>) offsets(%get3A_158 : vector<16xi32>) semaphore(%arg8 : memref<!tpu.dma_semaphore, #tpu.memory_space<semaphore_mem>>)
        %add3A_165 = arith.constant 16 : i32
        %add3A_166 = arith.addi %multiple_of3A_154, %add3A_165 : i32
        %get3A_167 = arith.index_cast %add3A_166 : i32 to index
        %get3A_168 = tpu.vector_load %arg5[%get3A_167] {strides = array<i32>} : memref<256xi32, #tpu.memory_space<vmem>>, vector<16xi32>,
        %dma_start3A_169 = arith.constant 16 : i32
        %dma_start3A_170 = arith.constant 0 : i32
        %dma_start3A_171 = tpu.memref_slice %arg6[%dma_start3A_169, %dma_start3A_170] : memref<64x768xf32, #tpu.memory_space<vmem>> -> memref<16x768xf32, #tpu.memory_space<vmem>>
        %dma_start3A_172 = arith.constant 0 : i32
        %dma_start3A_173 = arith.constant 0 : i32
        %dma_start3A_174 = tpu.memref_slice %arg3[%dma_start3A_172, %dma_start3A_173] : memref<100000x768xf32, #tpu.memory_space<hbm>> -> memref<100000x768xf32, #tpu.memory_space<hbm>>
        tpu.enqueue_indirect_dma source(%dma_start3A_174 : memref<100000x768xf32, #tpu.memory_space<hbm>>) target(%dma_start3A_171 : memref<16x768xf32, #tpu.memory_space<vmem>>) offsets(%get3A_168 : vector<16xi32>) semaphore(%arg8 : memref<!tpu.dma_semaphore, #tpu.memory_space<semaphore_mem>>)
        %add3A_175 = arith.constant 32 : i32
        %add3A_176 = arith.addi %multiple_of3A_154, %add3A_175 : i32
        %get3A_177 = arith.index_cast %add3A_176 : i32 to index
        %get3A_178 = tpu.vector_load %arg5[%get3A_177] {strides = array<i32>} : memref<256xi32, #tpu.memory_space<vmem>>, vector<16xi32>,
        %dma_start3A_179 = arith.constant 32 : i32
        %dma_start3A_180 = arith.constant 0 : i32
        %dma_start3A_181 = tpu.memref_slice %arg6[%dma_start3A_179, %dma_start3A_180] : memref<64x768xf32, #tpu.memory_space<vmem>> -> memref<16x768xf32, #tpu.memory_space<vmem>>
        %dma_start3A_182 = arith.constant 0 : i32
        %dma_start3A_183 = arith.constant 0 : i32
        %dma_start3A_184 = tpu.memref_slice %arg3[%dma_start3A_182, %dma_start3A_183] : memref<100000x768xf32, #tpu.memory_space<hbm>> -> memref<100000x768xf32, #tpu.memory_space<hbm>>
        tpu.enqueue_indirect_dma source(%dma_start3A_184 : memref<100000x768xf32, #tpu.memory_space<hbm>>) target(%dma_start3A_181 : memref<16x768xf32, #tpu.memory_space<vmem>>) offsets(%get3A_178 : vector<16xi32>) semaphore(%arg8 : memref<!tpu.dma_semaphore, #tpu.memory_space<semaphore_mem>>)
        %add3A_185 = arith.constant 48 : i32
        %add3A_186 = arith.addi %multiple_of3A_154, %add3A_185 : i32
        %get3A_187 = arith.index_cast %add3A_186 : i32 to index
        %get3A_188 = tpu.vector_load %arg5[%get3A_187] {strides = array<i32>} : memref<256xi32, #tpu.memory_space<vmem>>, vector<16xi32>,
        %dma_start3A_189 = arith.constant 48 : i32
        %dma_start3A_190 = arith.constant 0 : i32
        %dma_start3A_191 = tpu.memref_slice %arg6[%dma_start3A_189, %dma_start3A_190] : memref<64x768xf32, #tpu.memory_space<vmem>> -> memref<16x768xf32, #tpu.memory_space<vmem>>
        %dma_start3A_192 = arith.constant 0 : i32
        %dma_start3A_193 = arith.constant 0 : i32
        %dma_start3A_194 = tpu.memref_slice %arg3[%dma_start3A_192, %dma_start3A_193] : memref<100000x768xf32, #tpu.memory_space<hbm>> -> memref<100000x768xf32, #tpu.memory_space<hbm>>
        tpu.enqueue_indirect_dma source(%dma_start3A_194 : memref<100000x768xf32, #tpu.memory_space<hbm>>) target(%dma_start3A_191 : memref<16x768xf32, #tpu.memory_space<vmem>>) offsets(%get3A_188 : vector<16xi32>) semaphore(%arg8 : memref<!tpu.dma_semaphore, #tpu.memory_space<semaphore_mem>>)
      } else {
      }
      %add3A_134 = arith.constant 1 : i32
      %add3A_135 = arith.addi %mul3A_60, %add3A_134 : i32
      %mul3A_136 = arith.constant 64 : i32
      %mul3A_137 = arith.muli %add3A_135, %mul3A_136 : i32
      %multiple_of3A_138 = tpu.assume_multiple %mul3A_137, 64 : i32
      %add3A_139 = arith.addi %mul3A_2, %multiple_of3A_138 : i32
      %dma_start3A_140 = arith.constant 0 : i32
      %dma_start3A_141 = tpu.memref_slice %arg4[%add3A_139, %dma_start3A_140] : memref<8192x768xf32, #tpu.memory_space<hbm>> -> memref<64x768xf32, #tpu.memory_space<hbm>>
      %dma_start3A_142 = arith.constant 0 : i32
      %dma_start3A_143 = tpu.memref_slice %arg4[%add3A_139, %dma_start3A_142] : memref<8192x768xf32, #tpu.memory_space<hbm>> -> memref<64x768xf32, #tpu.memory_space<hbm>>
      tpu.enqueue_dma source(%arg7 : memref<64x768xf32, #tpu.memory_space<vmem>>) target(%dma_start3A_143 : memref<64x768xf32, #tpu.memory_space<hbm>>) target_semaphore(%arg9 : memref<!tpu.dma_semaphore, #tpu.memory_space<semaphore_mem>>)
    }
    %scan3A_46 = arith.constant 2 : i32
    %dma_wait3A = arith.constant 0 : i32
    %dma_wait3A_47 = arith.constant 0 : i32
    %dma_wait3A_48 = tpu.memref_slice %arg3[%dma_wait3A, %dma_wait3A_47] : memref<100000x768xf32, #tpu.memory_space<hbm>> -> memref<64x768xf32, #tpu.memory_space<hbm>>
    %dma_wait3A_49 = arith.constant 0 : i32
    %dma_wait3A_50 = arith.constant 0 : i32
    %dma_wait3A_51 = tpu.memref_slice %arg3[%dma_wait3A_49, %dma_wait3A_50] : memref<100000x768xf32, #tpu.memory_space<hbm>> -> memref<64x768xf32, #tpu.memory_space<hbm>>
    tpu.wait_dma2 semaphore(%arg9 : memref<!tpu.dma_semaphore, #tpu.memory_space<semaphore_mem>>) src(%dma_wait3A_51 : memref<64x768xf32, #tpu.memory_space<hbm>>) dst(%arg6 : memref<64x768xf32, #tpu.memory_space<vmem>>)
    %dma_wait3A_52 = arith.constant 0 : i32
    %dma_wait3A_53 = arith.constant 0 : i32
    %dma_wait3A_54 = tpu.memref_slice %arg3[%dma_wait3A_52, %dma_wait3A_53] : memref<100000x768xf32, #tpu.memory_space<hbm>> -> memref<64x768xf32, #tpu.memory_space<hbm>>
    %dma_wait3A_55 = arith.constant 0 : i32
    %dma_wait3A_56 = arith.constant 0 : i32
    %dma_wait3A_57 = tpu.memref_slice %arg3[%dma_wait3A_55, %dma_wait3A_56] : memref<100000x768xf32, #tpu.memory_space<hbm>> -> memref<64x768xf32, #tpu.memory_space<hbm>>
    tpu.wait_dma2 semaphore(%arg9 : memref<!tpu.dma_semaphore, #tpu.memory_space<semaphore_mem>>) src(%dma_wait3A_57 : memref<64x768xf32, #tpu.memory_space<hbm>>) dst(%arg7 : memref<64x768xf32, #tpu.memory_space<vmem>>)
    return
  }
}

module attributes {stable_mosaic.version = 14 : i64} {
  func.func @_ln_body(%arg0: i32, %arg1: i32, %arg2: memref<1024x768xf32, #tpu.memory_space<vmem>>, %arg3: memref<1024x768xf32, #tpu.memory_space<vmem>>, %arg4: memref<1024x1xf32, #tpu.memory_space<vmem>>, %arg5: memref<1024x1xf32, #tpu.memory_space<vmem>>, %arg6: memref<2x768xf32, #tpu.memory_space<vmem>>, %arg7: memref<3x768xf32, #tpu.memory_space<vmem>>, %arg8: memref<1x768xf32, #tpu.memory_space<vmem>>, %arg9: memref<1x768xf32, #tpu.memory_space<vmem>>, %arg10: memref<1024x768xf32, #tpu.memory_space<vmem>>) attributes {dimension_semantics = [#tpu.dimension_semantics<arbitrary>, #tpu.dimension_semantics<arbitrary>], iteration_bounds = array<i64: 2, 4>, scalar_prefetch = 0 : i64, scratch_operands = 0 : i64, tpu.core_type = #tpu.core_type<tc>, window_params = [{transform_indices = @transform_0, window_bounds = array<i64: 1024, 768>}, {transform_indices = @transform_1, window_bounds = array<i64: 1024, 768>}, {transform_indices = @transform_2, window_bounds = array<i64: 1024, 1>}, {transform_indices = @transform_3, window_bounds = array<i64: 1024, 1>}, {pipeline_mode = #tpu.pipeline_mode<synchronous>, transform_indices = @transform_4, window_bounds = array<i64: 2, 768>}, {pipeline_mode = #tpu.pipeline_mode<synchronous>, transform_indices = @transform_5, window_bounds = array<i64: 3, 768>}, {pipeline_mode = #tpu.pipeline_mode<synchronous>, transform_indices = @transform_6, window_bounds = array<i64: 1, 768>}, {pipeline_mode = #tpu.pipeline_mode<synchronous>, transform_indices = @transform_7, window_bounds = array<i64: 1, 768>}, {transform_indices = @transform_8, window_bounds = array<i64: 1024, 768>}]} {
    %get3A = arith.constant 0 : index
    %get3A_0 = arith.constant 0 : index
    %get3A_1 = vector.load %arg4[%get3A, %get3A_0] : memref<1024x1xf32, #tpu.memory_space<vmem>>, vector<1024x1xf32>
    %get3A_2 = arith.constant 0 : index
    %get3A_3 = arith.constant 0 : index
    %get3A_4 = vector.load %arg5[%get3A_2, %get3A_3] : memref<1024x1xf32, #tpu.memory_space<vmem>>, vector<1024x1xf32>
    %get3A_5 = arith.constant 0 : index
    %get3A_6 = arith.constant 0 : index
    %get3A_7 = vector.load %arg6[%get3A_5, %get3A_6] : memref<2x768xf32, #tpu.memory_space<vmem>>, vector<1x768xf32>
    %get3A_8 = vector.shape_cast %get3A_7 : vector<1x768xf32> to vector<768xf32>
    %get3A_9 = arith.constant 1 : index
    %get3A_10 = arith.constant 0 : index
    %get3A_11 = vector.load %arg6[%get3A_9, %get3A_10] : memref<2x768xf32, #tpu.memory_space<vmem>>, vector<1x768xf32>
    %get3A_12 = vector.shape_cast %get3A_11 : vector<1x768xf32> to vector<768xf32>
    %get3A_13 = arith.constant 0 : index
    %get3A_14 = arith.constant 0 : index
    %get3A_15 = vector.load %arg7[%get3A_13, %get3A_14] : memref<3x768xf32, #tpu.memory_space<vmem>>, vector<1x768xf32>
    %get3A_16 = vector.shape_cast %get3A_15 : vector<1x768xf32> to vector<768xf32>
    %get3A_17 = arith.constant 1 : index
    %get3A_18 = arith.constant 0 : index
    %get3A_19 = vector.load %arg7[%get3A_17, %get3A_18] : memref<3x768xf32, #tpu.memory_space<vmem>>, vector<1x768xf32>
    %get3A_20 = vector.shape_cast %get3A_19 : vector<1x768xf32> to vector<768xf32>
    %get3A_21 = arith.constant 2 : index
    %get3A_22 = arith.constant 0 : index
    %get3A_23 = vector.load %arg7[%get3A_21, %get3A_22] : memref<3x768xf32, #tpu.memory_space<vmem>>, vector<1x768xf32>
    %get3A_24 = vector.shape_cast %get3A_23 : vector<1x768xf32> to vector<768xf32>
    %get3A_25 = arith.constant 0 : index
    %get3A_26 = arith.constant 0 : index
    %get3A_27 = vector.load %arg2[%get3A_25, %get3A_26] : memref<1024x768xf32, #tpu.memory_space<vmem>>, vector<1024x768xf32>
    %get3A_28 = arith.constant 0 : index
    %get3A_29 = arith.constant 0 : index
    %get3A_30 = vector.load %arg3[%get3A_28, %get3A_29] : memref<1024x768xf32, #tpu.memory_space<vmem>>, vector<1024x768xf32>
    %add3A = arith.addf %get3A_27, %get3A_30 : vector<1024x768xf32>
    %add3A_31 = arith.addf %get3A_8, %get3A_16 : vector<768xf32>
    %broadcast_in_dim3A = vector.shape_cast %add3A_31 : vector<768xf32> to vector<1x768xf32>
    %add3A_32 = vector.broadcast %broadcast_in_dim3A : vector<1x768xf32> to vector<1024x768xf32>
    %add3A_33 = arith.addf %add3A, %add3A_32 : vector<1024x768xf32>
    %sub3A = arith.subf %get3A_12, %get3A_8 : vector<768xf32>
    %broadcast_in_dim3A_34 = vector.shape_cast %sub3A : vector<768xf32> to vector<1x768xf32>
    %mul3A = vector.broadcast %get3A_1 : vector<1024x1xf32> to vector<1024x768xf32>
    %mul3A_35 = vector.broadcast %broadcast_in_dim3A_34 : vector<1x768xf32> to vector<1024x768xf32>
    %mul3A_36 = arith.mulf %mul3A, %mul3A_35 : vector<1024x768xf32>
    %add3A_37 = arith.addf %add3A_33, %mul3A_36 : vector<1024x768xf32>
    %sub3A_38 = arith.subf %get3A_20, %get3A_16 : vector<768xf32>
    %broadcast_in_dim3A_39 = vector.shape_cast %sub3A_38 : vector<768xf32> to vector<1x768xf32>
    %mul3A_40 = vector.broadcast %get3A_4 : vector<1024x1xf32> to vector<1024x768xf32>
    %mul3A_41 = vector.broadcast %broadcast_in_dim3A_39 : vector<1x768xf32> to vector<1024x768xf32>
    %mul3A_42 = arith.mulf %mul3A_40, %mul3A_41 : vector<1024x768xf32>
    %add3A_43 = arith.addf %add3A_37, %mul3A_42 : vector<1024x768xf32>
    %sub3A_44 = arith.constant 1.000000e+00 : f32
    %sub3A_45 = vector.broadcast %sub3A_44 : f32 to vector<1024x1xf32>
    %sub3A_46 = arith.subf %get3A_4, %sub3A_45 : vector<1024x1xf32>
    %mul3A_47 = arith.mulf %get3A_4, %sub3A_46 : vector<1024x1xf32>
    %mul3A_48 = arith.constant 5.000000e-01 : f32
    %mul3A_49 = vector.broadcast %mul3A_48 : f32 to vector<1024x1xf32>
    %mul3A_50 = arith.mulf %mul3A_47, %mul3A_49 : vector<1024x1xf32>
    %mul3A_51 = arith.constant 2.000000e+00 : f32
    %mul3A_52 = vector.broadcast %mul3A_51 : f32 to vector<768xf32>
    %mul3A_53 = arith.mulf %mul3A_52, %get3A_20 : vector<768xf32>
    %sub3A_54 = arith.subf %get3A_24, %mul3A_53 : vector<768xf32>
    %add3A_55 = arith.addf %sub3A_54, %get3A_16 : vector<768xf32>
    %broadcast_in_dim3A_56 = vector.shape_cast %add3A_55 : vector<768xf32> to vector<1x768xf32>
    %mul3A_57 = vector.broadcast %mul3A_50 : vector<1024x1xf32> to vector<1024x768xf32>
    %mul3A_58 = vector.broadcast %broadcast_in_dim3A_56 : vector<1x768xf32> to vector<1024x768xf32>
    %mul3A_59 = arith.mulf %mul3A_57, %mul3A_58 : vector<1024x768xf32>
    %add3A_60 = arith.addf %add3A_43, %mul3A_59 : vector<1024x768xf32>
    %reduce_sum3A = arith.constant dense<0.000000e+00> : vector<1024xf32>
    %reduce_sum3A_61 = vector.multi_reduction <add>, %add3A_60, %reduce_sum3A [1] : vector<1024x768xf32> to vector<1024xf32>
    %broadcast_in_dim3A_62 = vector.shape_cast %reduce_sum3A_61 : vector<1024xf32> to vector<1024x1xf32>
    %div3A = arith.constant 7.680000e+02 : f32
    %div3A_63 = vector.broadcast %div3A : f32 to vector<1024x1xf32>
    %div3A_64 = arith.divf %broadcast_in_dim3A_62, %div3A_63 : vector<1024x1xf32>
    %sub3A_65 = vector.broadcast %div3A_64 : vector<1024x1xf32> to vector<1024x768xf32>
    %sub3A_66 = arith.subf %add3A_60, %sub3A_65 : vector<1024x768xf32>
    %mul3A_67 = arith.mulf %sub3A_66, %sub3A_66 : vector<1024x768xf32>
    %reduce_sum3A_68 = arith.constant dense<0.000000e+00> : vector<1024xf32>
    %reduce_sum3A_69 = vector.multi_reduction <add>, %mul3A_67, %reduce_sum3A_68 [1] : vector<1024x768xf32> to vector<1024xf32>
    %broadcast_in_dim3A_70 = vector.shape_cast %reduce_sum3A_69 : vector<1024xf32> to vector<1024x1xf32>
    %div3A_71 = arith.constant 7.680000e+02 : f32
    %div3A_72 = vector.broadcast %div3A_71 : f32 to vector<1024x1xf32>
    %div3A_73 = arith.divf %broadcast_in_dim3A_70, %div3A_72 : vector<1024x1xf32>
    %add3A_74 = arith.constant 9.99999996E-13 : f32
    %add3A_75 = vector.broadcast %add3A_74 : f32 to vector<1024x1xf32>
    %add3A_76 = arith.addf %div3A_73, %add3A_75 : vector<1024x1xf32>
    %rsqrt3A = math.rsqrt %add3A_76 : vector<1024x1xf32>
    %mul3A_77 = vector.broadcast %rsqrt3A : vector<1024x1xf32> to vector<1024x768xf32>
    %mul3A_78 = arith.mulf %sub3A_66, %mul3A_77 : vector<1024x768xf32>
    %get3A_79 = arith.constant 0 : index
    %get3A_80 = arith.constant 0 : index
    %get3A_81 = vector.load %arg8[%get3A_79, %get3A_80] : memref<1x768xf32, #tpu.memory_space<vmem>>, vector<1x768xf32>
    %mul3A_82 = vector.broadcast %get3A_81 : vector<1x768xf32> to vector<1024x768xf32>
    %mul3A_83 = arith.mulf %mul3A_78, %mul3A_82 : vector<1024x768xf32>
    %get3A_84 = arith.constant 0 : index
    %get3A_85 = arith.constant 0 : index
    %get3A_86 = vector.load %arg9[%get3A_84, %get3A_85] : memref<1x768xf32, #tpu.memory_space<vmem>>, vector<1x768xf32>
    %add3A_87 = vector.broadcast %get3A_86 : vector<1x768xf32> to vector<1024x768xf32>
    %add3A_88 = arith.addf %mul3A_83, %add3A_87 : vector<1024x768xf32>
    %swap3A = arith.constant 0 : index
    %swap3A_89 = arith.constant 0 : index
    %swap3A_90 = vector.load %arg10[%swap3A, %swap3A_89] : memref<1024x768xf32, #tpu.memory_space<vmem>>, vector<1024x768xf32>
    tpu.vector_store %arg10[%swap3A, %swap3A_89], %add3A_88 {strides = array<i32>} : memref<1024x768xf32, #tpu.memory_space<vmem>>, vector<1024x768xf32>,
    return
  }
  func.func @transform_0(%arg0: i32, %arg1: i32) -> (i32, i32) {
    %mul3A = arith.constant 2 : i32
    %mul3A_0 = arith.muli %arg1, %mul3A : i32
    %add3A = arith.addi %mul3A_0, %arg0 : i32
    %c0_i32 = arith.constant 0 : i32
    %c0_i32_1 = arith.constant 0 : i32
    return %add3A, %c0_i32 : i32, i32
  }
  func.func @transform_1(%arg0: i32, %arg1: i32) -> (i32, i32) {
    %c0_i32 = arith.constant 0 : i32
    %c0_i32_0 = arith.constant 0 : i32
    return %arg0, %c0_i32 : i32, i32
  }
  func.func @transform_2(%arg0: i32, %arg1: i32) -> (i32, i32) {
    %mul3A = arith.constant 2 : i32
    %mul3A_0 = arith.muli %arg1, %mul3A : i32
    %add3A = arith.addi %mul3A_0, %arg0 : i32
    %c0_i32 = arith.constant 0 : i32
    %c0_i32_1 = arith.constant 0 : i32
    return %add3A, %c0_i32 : i32, i32
  }
  func.func @transform_3(%arg0: i32, %arg1: i32) -> (i32, i32) {
    %mul3A = arith.constant 2 : i32
    %mul3A_0 = arith.muli %arg1, %mul3A : i32
    %add3A = arith.addi %mul3A_0, %arg0 : i32
    %c0_i32 = arith.constant 0 : i32
    %c0_i32_1 = arith.constant 0 : i32
    return %add3A, %c0_i32 : i32, i32
  }
  func.func @transform_4(%arg0: i32, %arg1: i32) -> (i32, i32) {
    %c0_i32 = arith.constant 0 : i32
    %c0_i32_0 = arith.constant 0 : i32
    %c0_i32_1 = arith.constant 0 : i32
    return %c0_i32, %c0_i32_0 : i32, i32
  }
  func.func @transform_5(%arg0: i32, %arg1: i32) -> (i32, i32) {
    %c0_i32 = arith.constant 0 : i32
    %c0_i32_0 = arith.constant 0 : i32
    %c0_i32_1 = arith.constant 0 : i32
    return %c0_i32, %c0_i32_0 : i32, i32
  }
  func.func @transform_6(%arg0: i32, %arg1: i32) -> (i32, i32) {
    %c0_i32 = arith.constant 0 : i32
    %c0_i32_0 = arith.constant 0 : i32
    %c0_i32_1 = arith.constant 0 : i32
    return %c0_i32, %c0_i32_0 : i32, i32
  }
  func.func @transform_7(%arg0: i32, %arg1: i32) -> (i32, i32) {
    %c0_i32 = arith.constant 0 : i32
    %c0_i32_0 = arith.constant 0 : i32
    %c0_i32_1 = arith.constant 0 : i32
    return %c0_i32, %c0_i32_0 : i32, i32
  }
  func.func @transform_8(%arg0: i32, %arg1: i32) -> (i32, i32) {
    %mul3A = arith.constant 2 : i32
    %mul3A_0 = arith.muli %arg1, %mul3A : i32
    %add3A = arith.addi %mul3A_0, %arg0 : i32
    %c0_i32 = arith.constant 0 : i32
    %c0_i32_1 = arith.constant 0 : i32
    return %add3A, %c0_i32 : i32, i32
  }
}

</mosaic_0001>

<sc_bundles>
// kernel: kernel.4.cloned.1.call-start
scs
__scs_entry_jumppad:
0x0: {  	(pc) =	sbr.rel $0x88, $3  }
0x1: {  	(tag) =	ssettag $0x0;
	lr =	simm.s32 $0x1  }
0x2: {  	[smem:$0x3F98] =	sst lr;
	_ =	strace $0xD0000000  }
0x3: {  	_ = 	snop  }
0x4: {  	_ = 	snop  }
0x5: {  	_ = 	snop  }
0x6: {  	_ = 	snop  }
0x7: {  	_ = 	snop  }
__scs_overlays_trampoline_lowered:
0x8: {  	[smem:$0x3FA7] =	sst s0  }
0x9: {  	[smem:$0x3FA8] =	sst s1  }
0xa: {  	[smem:$0x3FA9] =	sst s2  }
0xb: {  	[smem:$0x3FAA] =	sst s3  }
0xc: {  	[smem:$0x3FAB] =	sst s4  }
0xd: {  	[smem:$0x3FAC] =	sst s5  }
0xe: {  	[smem:$0x3FAD] =	sst s6  }
0xf: {  	[smem:$0x3FAE] =	sst s7  }
0x10: {  	[smem:$0x3FAF] =	sst s8  }
0x11: {  	[smem:$0x3FB0] =	sst s9;
	s0 =	simm.s32 @!p0 $0x0  }
0x12: {  	s1 =	sld [smem:$0x3F96];
	s0 =	simm.s32 @p0 $0x1  }
0x13: {  	[smem:$0x3FB1] =	sst s0;
	s0 =	simm.s32 @!p1 $0x0  }
0x14: {  	s2 =	sld [smem:$0x3F95];
	s0 =	simm.s32 @p1 $0x1  }
0x15: {  	[smem:$0x3FB2] =	sst s0;
	s0 =	simm.s32 @!p2 $0x0  }
0x16: {  	s3 =	sld [smem:$0x3FDB];
	s0 =	simm.s32 @p2 $0x1  }
0x17: {  	s4 =	simm.s32 $0x1BF5;
	[smem:$0x3FB4] =	sst s0  }
0x18: {  	s0 =	sld [smem:$0x3F97];
	_ =	swait.ge [sflag:s4], $0x0  }
0x19: {  	s7 =	sld [smem:$0x3F98]  }
0x1a: {  	s8 =	sadd.s32 $0xFFFFE003, lr  }
0x1b: {  	s9 =	sadd.s32 $0xFFFFFEF7, lr;
	s5 =	simm.s32 $0xFFFFFFFF;
	p2 =	slt.u32 s8, $0xFFFFF086  }
0x1c: {  	p1 =	slt.u32 s9, $0xF7A;
	s5 =	simm.s32 @!p2 $0x0  }
0x1d: {  	s5 =	simm.s32 @p1 $0x1;
	p0 =	seq.s32 s7, s2  }
0x1e: {  	s7 =	smul.u32 @!p0 $0xF7A, s2;
	p2 =	seq.s32 @!p0 s5, $0x0  }
0x1f: {  	s9 =	smul.u32 $0xF7A, s1;
	s8 =	simm.s32 @!p0 $0x1BF5;
	p2 =	por !p2, p0  }
0x20: {  	[sflag:s8] =	ssyncset.s32 @!p0 $0xFFFFF086;
	s6 =	sadd.s32 @!p0 s3, s7;
	s7 =	simm.s32 @!p0 $0x108  }
0x21: {  	s3 =	sadd.s32 s3, s9;
	s6 =	sadd.s32 @!p0 $0x88, s6;
	s7 =	simm.s32 @p2 $0x1082  }
0x22: {  	[simem:s7], [sflag:s8] =	dma.local @!p0 [hbm:s6], $0xF7A  }
0x23: {  	s9 =	sor.u32 $0xD0000000, s2;
	s6 =	simm.s32 $0x108;
	_ =	swait.ge @!p0 [sflag:s8], $0x0  }
0x24: {  	s3 =	sadd.s32 $0x88, s3;
	s6 =	simm.s32 @!p1 $0x1082;
	[sflag:s4] =	ssyncset.s32 $0xFFFFF086  }
0x25: {  	[simem:s6], [sflag:s4] =	dma.local [hbm:s3], $0xF7A  }
0x26: {  	[smem:$0x3F98] =	sst s1;
	(tag) =	ssettag s2;
	_ =	strace s9  }
0x27: {  	s1 =	sld [smem:$0x3FA8]  }
0x28: {  	s2 =	sld [smem:$0x3FA9]  }
0x29: {  	s4 =	sld [smem:$0x3FAB]  }
0x2a: {  	p0 =	seq.s32 s5, $0x0;
	s5 =	sld [smem:$0x3FAC]  }
0x2b: {  	s6 =	sld [smem:$0x3FAD]  }
0x2c: {  	s7 =	sld [smem:$0x3FAE]  }
0x2d: {  	s3 =	simm.s32 $0x108;
	s8 =	sld [smem:$0x3FAF]  }
0x2e: {  	s3 =	simm.s32 @!p0 $0x1082;
	s9 =	sld [smem:$0x3FB0]  }
0x2f: {  	lr =	sadd.s32 s0, s3;
	s0 =	sld [smem:$0x3FA7]  }
0x30: {  	s3 =	sld [smem:$0x3FAA]  }
0x31: {  	[smem:$0x3FB3] =	sst s10  }
0x32: {  	s10 =	sld [smem:$0x3FB1];
	_ =	sdelay $0x3  }
0x33: {  	p0 =	seq.s32 s10, $0x1;
	s10 =	sld [smem:$0x3FB3];
	_ =	sdelay $0x3  }
0x34: {  	[smem:$0x3FB3] =	sst s10  }
0x35: {  	s10 =	sld [smem:$0x3FB2];
	_ =	sdelay $0x3  }
0x36: {  	p1 =	seq.s32 s10, $0x1;
	s10 =	sld [smem:$0x3FB3];
	_ =	sdelay $0x3  }
0x37: {  	[smem:$0x3FB3] =	sst s10  }
0x38: {  	s10 =	sld [smem:$0x3FB4]  }
0x39: {  	_ = 	snop;
	(pc) =	sbr.ind lr, $3  }
0x3a: {  	_ = 	snop  }
0x3b: {  	_ = 	snop  }
0x3c: {  	p2 =	seq.s32 s10, $0x1;
	s10 =	sld [smem:$0x3FB3]  }
0x3d: {  	_ =	shalt  }
0x3e: {  	_ =	shalt  }
0x3f: {  	_ =	shalt  }
0x40: {  	_ =	shalt  }
0x41: {  	_ =	shalt  }
0x42: {  	_ =	shalt  }
0x43: {  	_ =	shalt  }
0x44: {  	_ =	shalt  }
0x45: {  	_ =	shalt  }
0x46: {  	_ =	shalt  }
0x47: {  	_ =	shalt  }
0x48: {  	_ =	shalt  }
0x49: {  	_ =	shalt  }
0x4a: {  	_ =	shalt  }
0x4b: {  	_ =	shalt  }
0x4c: {  	_ =	shalt  }
0x4d: {  	_ =	shalt  }
0x4e: {  	_ =	shalt  }
0x4f: {  	_ =	shalt  }
0x50: {  	_ =	shalt  }
0x51: {  	_ =	shalt  }
0x52: {  	_ =	shalt  }
0x53: {  	_ =	shalt  }
0x54: {  	_ =	shalt  }
0x55: {  	_ =	shalt  }
0x56: {  	_ =	shalt  }
0x57: {  	_ =	shalt  }
0x58: {  	_ =	shalt  }
0x59: {  	_ =	shalt  }
0x5a: {  	_ =	shalt  }
0x5b: {  	_ =	shalt  }
0x5c: {  	_ =	shalt  }
0x5d: {  	_ =	shalt  }
0x5e: {  	_ =	shalt  }
0x5f: {  	_ =	shalt  }
0x60: {  	_ =	shalt  }
0x61: {  	_ =	shalt  }
0x62: {  	_ =	shalt  }
0x63: {  	_ =	shalt  }
0x64: {  	_ =	shalt  }
0x65: {  	_ =	shalt  }
0x66: {  	_ =	shalt  }
0x67: {  	_ =	shalt  }
0x68: {  	_ =	shalt  }
0x69: {  	_ =	shalt  }
0x6a: {  	_ =	shalt  }
0x6b: {  	_ =	shalt  }
0x6c: {  	_ =	shalt  }
0x6d: {  	_ =	shalt  }
0x6e: {  	_ =	shalt  }
0x6f: {  	_ =	shalt  }
0x70: {  	_ =	shalt  }
0x71: {  	_ =	shalt  }
0x72: {  	_ =	shalt  }
0x73: {  	_ =	shalt  }
0x74: {  	_ =	shalt  }
0x75: {  	_ =	shalt  }
0x76: {  	_ =	shalt  }
0x77: {  	_ =	shalt  }
0x78: {  	_ =	shalt  }
0x79: {  	_ =	shalt  }
0x7a: {  	_ =	shalt  }
0x7b: {  	_ =	shalt  }
0x7c: {  	_ =	shalt  }
0x7d: {  	_ =	shalt  }
0x7e: {  	_ =	shalt  }
0x7f: {  	_ =	shalt  }
0x80: {  	_ =	shalt  }
0x81: {  	_ =	shalt  }
0x82: {  	_ =	shalt  }
0x83: {  	_ =	shalt  }
0x84: {  	_ =	shalt  }
0x85: {  	_ =	shalt  }
0x86: {  	_ =	shalt  }
0x87: {  	_ =	shalt  }
.Lfunc_end0:
.L_simem_size_0:
called_computation_lowered:
.L_overlay_start_0:
0x88: {  	s2 =	sld [smem:$0x3FD9]  }
0x89: {  	s3 =	sld [smem:$0x3FFE];
	_ =	sdelay $0x1  }
0x8a: {  	s1 =	srdreg.scid  }
0x8b: {  	s0 =	sand.u32 $0x1, s1  }
0x8c: {  	s17 =	sshll.u32 s0, $0xA;
	s2 =	sadd.s32 s3, s2  }
0x8d: {  	s2 =	sadd.s32 s2, s17  }
0x8e: {  	[smem:$0x3FBF] =	sst s2  }
0x8f: {  	_ = 	snop  }
0x90: {  	s2 =	sld [smem:$0x3FC6]  }
0x91: {  	s18 =	sld [smem:$0x3FD0];
	(tm) =	ssettm $0x1  }
0x92: {  	s4 =	sld [smem:$0x3FFB];
	_ =	sdelay $0x3  }
0x93: {  	_ =	strace s4  }
0x94: {  	s4 =	sld [smem:$0x3FFC];
	_ =	sdelay $0x3  }
0x95: {  	_ =	strace s4  }
0x96: {  	s4 =	sld [smem:$0x3FFD];
	_ =	sdelay $0x3  }
0x97: {  	_ =	strace s4  }
0x98: {  	_ =	strace $0x8FFFFFFF  }
0x99: {  	s19 =	sld [smem:$0x3FDB];
	_ =	sdelay $0x1  }
0x9a: {  	s5 =	simm.s32 $_scs_section_size  }
0x9b: {  	s6 =	simm.s32 $_size__tile_overlayer_lowered;
	s7 =	simm.s32 $_tile_overlayer_lowered  }
0x9c: {  	s22 =	simm.s32 $0x1BFF;
	s21 =	sshll.u32 s7, $0x1;
	s4 =	sadd.s32 s5, s19  }
0x9d: {  	s8 =	simm.s32 $0x0;
	s20 =	sshll.u32 s6, $0x1;
	s6 =	sadd.s32 s21, s4  }
0x9e: {  	[timem:s8], [sflag:s22] =	dma.local [hbm:s6], s20  }
0x9f: {  	_ =	swait.ge [sflag:s22], s20  }
0xa0: {  	s5 =	ssub.s32 $0x0, s20;
	[sflag:s22] =	ssyncset.done $0x0  }
0xa1: {  	[sflag:s22] =	ssyncadd.s32 s5;
	_ =	sdelay $0x1  }
0xa2: {  	s23 =	simm.s32 $0x1B8B  }
0xa3: {  	_ =	swait.ge [sflag:s23], $0x1  }
0xa4: {  	[sflag:s23] =	ssyncset.done $0x0  }
0xa5: {  	s25 =	simm.s32 $0x1B8E;
	s24 =	sld [smem:$0x3FFE];
	[sflag:s23] =	ssyncadd.s32 $0xFFFFFFFF  }
0xa6: {  	s26 =	simm.s32 $execute0_lowered;
	[smem:$0x3FD2] =	sst s25  }
0xa7: {  	s6 =	sshll.u32 s26, $0x1;
	_ =	strace $0x80000046;
	[dreg:$0x1] =	wrdreg $0xFFFFFFFF  }
0xa8: {  	s28 =	simm.s32 $_size_execute0_lowered;
	s4 =	sadd.s32 s4, s6;
	[dreg:$0x0] =	wrdreg $0x0  }
0xa9: {  	s6 =	sshll.u32 s28, $0x1;
	[dreg:$0x2] =	wrdreg s4  }
0xaa: {  	[dreg:$0x3] =	wrdreg s6  }
0xab: {  	[dreg:$0x4] =	wrdreg $0xC0  }
0xac: {  	_ =	task [dreg:s8], $0x5FFFF  }
0xad: {  	[dreg:$0x1] =	wrdreg $0xFFFFFFFF  }
0xae: {  	[dreg:$0x0] =	wrdreg $0x60  }
0xaf: {  	[dreg:$0x2] =	wrdreg s18  }
0xb0: {  	[dreg:$0x3] =	wrdreg s2  }
0xb1: {  	[dreg:$0x4] =	wrdreg s24  }
0xb2: {  	[dreg:$0x5] =	wrdreg $0x9  }
0xb3: {  	_ =	task.clear_ibuf [dreg:s8], $0x6FFFF;
	_ =	strace $0x90000046  }
0xb4: {  	s29 =	simm.s32 $0x9;
	_ =	strace $0x80000048  }
0xb5: {  	_ =	swait.ge [sflag:s29], $0x1  }
0xb6: {  	[sflag:s29] =	ssyncadd.s32 $0xFFFFFFFF  }
0xb7: {  	_ =	strace $0x90000048  }
0xb8: {  	_ =	sfence  }
0xb9: {  	s30 =	sld [smem:$0x0];
	_ =	sdelay $0x2  }
0xba: {  	s31 =	sshll.u32 s1, $0xD;
	s1 =	sshrl.u32 s1, $0x2  }
0xbb: {  	s3 =	sand.u32 $0x4000, s31;
	s1 =	sadd.s32 s1, s30  }
0xbc: {  	s0 =	sor.u32 s3, s0;
	s1 =	sshll.u32 s1, $0x11  }
0xbd: {  	s0 =	sor.u32 s1, s0  }
0xbe: {  	s0 =	sadd.s32 $0x8F2B, s0  }
0xbf: {  	[sflag:s0] =	ssyncadd.remote.s32 $0x1  }
0xc0: {  	_ =	sfence.sel $0xFFFF  }
0xc1: {  	[dreg:$0x0] =	wrdreg $0xFFFFFFFF;
	(pc) =	sbr.abs _section_cstart, $3  }
0xc2: {  	[dreg:$0x1] =	wrdreg $0xFFFFFFFF  }
0xc3: {  	_ =	task.clear_ibuf [dreg:s8], $0x2FFFF;
	_ =	strace $0x9FFFFFFF  }
0xc4: {  	(tm) =	ssettm $0x7FFFFFFF  }
0xc5: {  	_ =	shalt  }
tec
execute0_lowered:
.L_overlay_start_1:
0x0: {  	(tag) =	ssettag $0x1  }
0x1: {  	s0 =	rddreg [dreg:$0x0]  }
0x2: {  	s1 =	rddreg [dreg:$0x1]  }
0x3: {  	s2 =	rddreg [dreg:$0x2];
	s3 =	simm.s32 $0x0;
	s4 =	srdreg.scid  }
0x4: {  	s5 =	stileid.u32;
	s12 =	simm.s32 $0x100;
	s13 =	simm.s32 $0x1  }
0x5: {  	s14 =	simm.s32 $0xC100;
	s21 =	simm.s32 $0xF900;
	s22 =	simm.s32 $0x10100  }
0x6: {  	s23 =	simm.s32 $0x10900;
	s24 =	simm.s32 $0x11100;
	s28 =	simm.s32 $0x12900  }
0x7: {  	s29 =	simm.s32 $0x13100;
	s30 =	simm.s32 $0x13900;
	s31 =	simm.s32 $0x14100  }
0x8: {  	s9 =	simm.s32 $0x16100;
	s11 =	simm.s32 $0x16900;
	s15 =	simm.s32 $0x17100  }
0x9: {  	s16 =	simm.s32 $0x17900;
	s17 =	simm.s32 $0x2;
	s19 =	simm.s32 $0x0  }
0xa: {  	[smem:$0x7FF] =	sst s3;
	s4 =	sand.u32 $0x1, s4;
	s5 =	sshll.u32 s5, $0x9  }
0xb: {  	s8 =	sadd.s32 $0x200, s1;
	s10 =	sadd.s32 $0x2A00, s2;
	s6 =	ssub.s32 $0x2, s4  }
0xc: {  	s4 =	sshll.u32 s4, $0x8;
	_ =	strace $0x80000047;
	s7 =	sshrl.u32 s6, $0x1  }
.Ltmp0:
0xd: {  	s4 =	sor.u32 s4, s5;
	s5 =	sadd.s32 $0x1200, s2;
	(pc) =	sbr.rel .LBB2_1-.Ltmp0, $4  }
0xe: {  	s2 =	simm.s32 $0x15100;
	s6 =	ssub.s32 s6, s7;
	s25 =	sshrl.u32 s4, $0x3  }
0xf: {  	v2 =	vlaneseq.u32;
	s7 =	sadd.s32 $0x100, s1;
	s0 =	sadd.s32 s0, s25;
	s26 =	smax.u32 s6, $0x1  }
0x10: {  	vm0 =	vmmov $0xffff;
	v1 =	vshrl.u32 v2, $0x3;
	s25 =	simm.s32 $0x11900;
	s6 =	simm.s32 $0x15900;
	[dreg:$0x4] =	wrdreg s0  }
0x11: {  	v0 =	vand.u32 $0x7, v2;
	v2 =	vor.u32 $0x8, v2;
	v1 =	vmul.u32 $0x8, v1;
	[dreg:$0x5] =	wrdreg s26;
	s26 =	simm.s32 $0x12100;
	s0 =	simm.s32 $0x14900  }
.LBB2_4:
0x12: {  	s18 =	sadd.s32 s10, s19  }
0x13: {  	[hbm4b:s18+s3] =	stream.linear.scatter [tilespmem:s14], [sflag:$0x2], $0xC000, $0x38;
	[tilespmem:$0x18100] =	vst v63  }
0x14: {  	_ =	swait.ge [sflag:s17], $0xC000  }
0x15: {  	[sflag:s17] =	ssyncset.done $0x0  }
0x16: {  	[sflag:s17] =	ssyncadd.s32 $0xFFFF4000  }
0x17: {  	_ =	swait.ge [sflag:s17], $0xC000  }
0x18: {  	s18 =	rddreg [dreg:$0x6]  }
0x19: {  	s20 =	rddreg [dreg:$0x5];
	s19 =	sadd.s32 $0x1, s18  }
0x1a: {  	p0 =	sne.s32 s19, s20  }
.Ltmp1:
0x1b: {  	_ = 	snop;
	(pc) =	sbr.rel @!p0 .LBB2_5-.Ltmp1, $3  }
0x1c: {  	_ =	sdelay $0x1  }
0x1d: {  	[sflag:s17] =	ssyncset.done $0x0  }
0x1e: {  	[sflag:s17] =	ssyncadd.s32 $0xFFFF4000  }
.LBB2_1:
0x1f: {  	[dreg:$0x6] =	wrdreg s19  }
0x20: {  	s18 =	rddreg [dreg:$0x4];
	s19 =	simm.s32 $0x3  }
0x21: {  	[tilespmem:s3], [sflag:$0x3] =	stream.linear.gather [hbm4b:s18+s3], $0x100, $0x38;
	[tilespmem:$0x18100] =	vst v63  }
0x22: {  	_ =	swait.ge [sflag:s19], $0x100  }
0x23: {  	[sflag:s19] =	ssyncset.done $0x0  }
0x24: {  	[sflag:s19] =	ssyncadd.s32 $0xFFFFFF00  }
0x25: {  	v3 =	vld [tilespmem:$0x0];
	_ =	sdelay $0x4  }
0x26: {  	v4 =	vshrl.u32 v3, $0x3  }
0x27: {  	v4 =	vmul.u32 $0x30, v4  }
0x28: {  	v3 =	vand.u32 $0x7, v3  }
0x29: {  	v3 =	vor.u32 v3, v4  }
0x2a: {  	v4 =	vperm.xlane v3, v0;
	_ =	sdelay $0x1  }
0x2b: {  	v4 =	vadd.s32 v1, v4;
	_ =	sdelay $0x3  }
0x2c: {  	v3 =	vperm.xlane v3, v2  }
0x2d: {  	[tilespmem:s12], [sflag:$0x1] =	stream.indirect_vreg.gather [hbm4b:s1+s3], $0x80, v4, vm0, $0xb8;
	[tilespmem:$0x18100] =	vst v63  }
0x2e: {  	s20 =	simm.s32 $0x900;
	v3 =	vadd.s32 v1, v3  }
0x2f: {  	[tilespmem:s20], [sflag:$0x1] =	stream.indirect_vreg.gather [hbm4b:s7+s3], $0x80, v4, vm0, $0xb8;
	[tilespmem:$0x18100] =	vst v63  }
0x30: {  	s19 =	simm.s32 $0x1100  }
0x31: {  	[tilespmem:s19], [sflag:$0x1] =	stream.indirect_vreg.gather [hbm4b:s8+s3], $0x80, v4, vm0, $0xb8;
	[tilespmem:$0x18100] =	vst v63  }
0x32: {  	s20 =	simm.s32 $0x1900  }
0x33: {  	[tilespmem:s20], [sflag:$0x1] =	stream.indirect_vreg.gather [hbm4b:s1+s3], $0x80, v3, vm0, $0xb8;
	[tilespmem:$0x18100] =	vst v63  }
0x34: {  	s19 =	simm.s32 $0x2100  }
0x35: {  	[tilespmem:s19], [sflag:$0x1] =	stream.indirect_vreg.gather [hbm4b:s7+s3], $0x80, v3, vm0, $0xb8;
	[tilespmem:$0x18100] =	vst v63  }
0x36: {  	s20 =	simm.s32 $0x2900  }
0x37: {  	[tilespmem:s20], [sflag:$0x1] =	stream.indirect_vreg.gather [hbm4b:s8+s3], $0x80, v3, vm0, $0xb8;
	[tilespmem:$0x18100] =	vst v63  }
0x38: {  	v3 =	vld [tilespmem:$0x10];
	_ =	sdelay $0x4  }
0x39: {  	v61 =	vshrl.u32 v3, $0x3  }
0x3a: {  	v4 =	vmul.u32 $0x30, v61  }
0x3b: {  	v3 =	vand.u32 $0x7, v3  }
0x3c: {  	v3 =	vor.u32 v3, v4  }
0x3d: {  	v4 =	vperm.xlane v3, v0;
	_ =	sdelay $0x1  }
0x3e: {  	v4 =	vadd.s32 v1, v4;
	_ =	sdelay $0x3  }
0x3f: {  	s19 =	simm.s32 $0x3100;
	v3 =	vperm.xlane v3, v2  }
0x40: {  	[tilespmem:s19], [sflag:$0x1] =	stream.indirect_vreg.gather [hbm4b:s1+s3], $0x80, v4, vm0, $0xb8;
	[tilespmem:$0x18100] =	vst v63  }
0x41: {  	s20 =	simm.s32 $0x3900;
	v3 =	vadd.s32 v1, v3  }
0x42: {  	[tilespmem:s20], [sflag:$0x1] =	stream.indirect_vreg.gather [hbm4b:s7+s3], $0x80, v4, vm0, $0xb8;
	[tilespmem:$0x18100] =	vst v63  }
0x43: {  	s19 =	simm.s32 $0x4100  }
0x44: {  	[tilespmem:s19], [sflag:$0x1] =	stream.indirect_vreg.gather [hbm4b:s8+s3], $0x80, v4, vm0, $0xb8;
	[tilespmem:$0x18100] =	vst v63  }
0x45: {  	s20 =	simm.s32 $0x4900  }
0x46: {  	[tilespmem:s20], [sflag:$0x1] =	stream.indirect_vreg.gather [hbm4b:s1+s3], $0x80, v3, vm0, $0xb8;
	[tilespmem:$0x18100] =	vst v63  }
0x47: {  	s19 =	simm.s32 $0x5100  }
0x48: {  	[tilespmem:s19], [sflag:$0x1] =	stream.indirect_vreg.gather [hbm4b:s7+s3], $0x80, v3, vm0, $0xb8;
	[tilespmem:$0x18100] =	vst v63  }
0x49: {  	s20 =	simm.s32 $0x5900  }
0x4a: {  	[tilespmem:s20], [sflag:$0x1] =	stream.indirect_vreg.gather [hbm4b:s8+s3], $0x80, v3, vm0, $0xb8;
	[tilespmem:$0x18100] =	vst v63  }
0x4b: {  	v3 =	vld [tilespmem:$0x20];
	_ =	sdelay $0x4  }
0x4c: {  	v62 =	vshrl.u32 v3, $0x3  }
0x4d: {  	v4 =	vmul.u32 $0x30, v62  }
0x4e: {  	v3 =	vand.u32 $0x7, v3  }
0x4f: {  	v3 =	vor.u32 v3, v4  }
0x50: {  	v4 =	vperm.xlane v3, v0;
	_ =	sdelay $0x1  }
0x51: {  	v4 =	vadd.s32 v1, v4;
	_ =	sdelay $0x3  }
0x52: {  	s19 =	simm.s32 $0x6100;
	v3 =	vperm.xlane v3, v2  }
0x53: {  	[tilespmem:s19], [sflag:$0x1] =	stream.indirect_vreg.gather [hbm4b:s1+s3], $0x80, v4, vm0, $0xb8;
	[tilespmem:$0x18100] =	vst v63  }
0x54: {  	s20 =	simm.s32 $0x6900;
	v3 =	vadd.s32 v1, v3  }
0x55: {  	[tilespmem:s20], [sflag:$0x1] =	stream.indirect_vreg.gather [hbm4b:s7+s3], $0x80, v4, vm0, $0xb8;
	[tilespmem:$0x18100] =	vst v63  }
0x56: {  	s19 =	simm.s32 $0x7100  }
0x57: {  	[tilespmem:s19], [sflag:$0x1] =	stream.indirect_vreg.gather [hbm4b:s8+s3], $0x80, v4, vm0, $0xb8;
	[tilespmem:$0x18100] =	vst v63  }
0x58: {  	s20 =	simm.s32 $0x7900  }
0x59: {  	[tilespmem:s20], [sflag:$0x1] =	stream.indirect_vreg.gather [hbm4b:s1+s3], $0x80, v3, vm0, $0xb8;
	[tilespmem:$0x18100] =	vst v63  }
0x5a: {  	s19 =	simm.s32 $0x8100  }
0x5b: {  	[tilespmem:s19], [sflag:$0x1] =	stream.indirect_vreg.gather [hbm4b:s7+s3], $0x80, v3, vm0, $0xb8;
	[tilespmem:$0x18100] =	vst v63  }
0x5c: {  	s20 =	simm.s32 $0x8900  }
0x5d: {  	[tilespmem:s20], [sflag:$0x1] =	stream.indirect_vreg.gather [hbm4b:s8+s3], $0x80, v3, vm0, $0xb8;
	[tilespmem:$0x18100] =	vst v63  }
0x5e: {  	v3 =	vld [tilespmem:$0x30];
	_ =	sdelay $0x4  }
0x5f: {  	v63 =	vshrl.u32 v3, $0x3  }
0x60: {  	v4 =	vmul.u32 $0x30, v63  }
0x61: {  	v3 =	vand.u32 $0x7, v3  }
0x62: {  	v3 =	vor.u32 v3, v4  }
0x63: {  	v4 =	vperm.xlane v3, v0;
	_ =	sdelay $0x1  }
0x64: {  	v4 =	vadd.s32 v1, v4;
	_ =	sdelay $0x3  }
0x65: {  	s19 =	simm.s32 $0x9100;
	v3 =	vperm.xlane v3, v2  }
0x66: {  	[tilespmem:s19], [sflag:$0x1] =	stream.indirect_vreg.gather [hbm4b:s1+s3], $0x80, v4, vm0, $0xb8;
	[tilespmem:$0x18100] =	vst v63  }
0x67: {  	s20 =	simm.s32 $0x9900;
	v3 =	vadd.s32 v1, v3  }
0x68: {  	[tilespmem:s20], [sflag:$0x1] =	stream.indirect_vreg.gather [hbm4b:s7+s3], $0x80, v4, vm0, $0xb8;
	[tilespmem:$0x18100] =	vst v63  }
0x69: {  	s19 =	simm.s32 $0xA100  }
0x6a: {  	[tilespmem:s19], [sflag:$0x1] =	stream.indirect_vreg.gather [hbm4b:s8+s3], $0x80, v4, vm0, $0xb8;
	[tilespmem:$0x18100] =	vst v63  }
0x6b: {  	s20 =	simm.s32 $0xA900  }
0x6c: {  	[tilespmem:s20], [sflag:$0x1] =	stream.indirect_vreg.gather [hbm4b:s1+s3], $0x80, v3, vm0, $0xb8;
	[tilespmem:$0x18100] =	vst v63  }
0x6d: {  	p0 =	por $0x1, $0x1;
	s19 =	simm.s32 $0xB100  }
0x6e: {  	[tilespmem:s19], [sflag:$0x1] =	stream.indirect_vreg.gather [hbm4b:s7+s3], $0x80, v3, vm0, $0xb8;
	[tilespmem:$0x18100] =	vst v63  }
0x6f: {  	p1 =	por $0x0, $0x0;
	s18 =	simm.s32 $0x0;
	s20 =	simm.s32 $0xB900  }
0x70: {  	[tilespmem:s20], [sflag:$0x1] =	stream.indirect_vreg.gather [hbm4b:s8+s3], $0x80, v3, vm0, $0xb8;
	[tilespmem:$0x18100] =	vst v63  }
.LBB2_2:
0x71: {  	_ =	swait.ge [sflag:s13], $0xC000  }
0x72: {  	[sflag:s13] =	ssyncset.done $0x0  }
0x73: {  	s19 =	simm.s32 @p1 $0x2;
	[sflag:s13] =	ssyncadd.s32 $0xFFFF4000  }
0x74: {  	_ =	swait.ge @p1 [sflag:s19], $0xC000  }
0x75: {  	s18 =	sshll.u32 s18, $0x7;
	[sflag:s19] =	ssyncset.done @p1 $0x0  }
0x76: {  	[sflag:s19] =	ssyncadd.s32 @p1 $0xFFFF4000;
	s19 =	sand.u32 $0x3FFFFF80, s18  }
0x77: {  	v3 =	vld [tilespmem:s19+$0x40];
	_ =	sdelay $0x4  }
0x78: {  	v4 =	vshrl.u32 v3, $0x3  }
0x79: {  	v4 =	vmul.u32 $0x30, v4  }
0x7a: {  	v3 =	vand.u32 $0x7, v3  }
0x7b: {  	v3 =	vor.u32 v3, v4  }
0x7c: {  	v4 =	vperm.xlane v3, v0;
	_ =	sdelay $0x1  }
0x7d: {  	v4 =	vadd.s32 v1, v4;
	_ =	sdelay $0x3  }
0x7e: {  	v3 =	vperm.xlane v3, v2  }
0x7f: {  	[tilespmem:s14], [sflag:$0x1] =	stream.indirect_vreg.gather [hbm4b:s1+s3], $0x80, v4, vm0, $0xb8;
	[tilespmem:$0x18100] =	vst v63  }
0x80: {  	s20 =	simm.s32 $0xC900;
	v3 =	vadd.s32 v1, v3  }
0x81: {  	[tilespmem:s20], [sflag:$0x1] =	stream.indirect_vreg.gather [hbm4b:s7+s3], $0x80, v4, vm0, $0xb8;
	[tilespmem:$0x18100] =	vst v63  }
0x82: {  	s20 =	simm.s32 $0xD100  }
0x83: {  	[tilespmem:s20], [sflag:$0x1] =	stream.indirect_vreg.gather [hbm4b:s8+s3], $0x80, v4, vm0, $0xb8;
	[tilespmem:$0x18100] =	vst v63  }
0x84: {  	s20 =	simm.s32 $0xD900  }
0x85: {  	[tilespmem:s20], [sflag:$0x1] =	stream.indirect_vreg.gather [hbm4b:s1+s3], $0x80, v3, vm0, $0xb8;
	[tilespmem:$0x18100] =	vst v63  }
0x86: {  	s20 =	simm.s32 $0xE100  }
0x87: {  	[tilespmem:s20], [sflag:$0x1] =	stream.indirect_vreg.gather [hbm4b:s7+s3], $0x80, v3, vm0, $0xb8;
	[tilespmem:$0x18100] =	vst v63  }
0x88: {  	s20 =	simm.s32 $0xE900  }
0x89: {  	[tilespmem:s20], [sflag:$0x1] =	stream.indirect_vreg.gather [hbm4b:s8+s3], $0x80, v3, vm0, $0xb8;
	[tilespmem:$0x18100] =	vst v63  }
0x8a: {  	v3 =	vld [tilespmem:s19+$0x50];
	_ =	sdelay $0x4  }
0x8b: {  	v61 =	vshrl.u32 v3, $0x3  }
0x8c: {  	v4 =	vmul.u32 $0x30, v61  }
0x8d: {  	v3 =	vand.u32 $0x7, v3  }
0x8e: {  	v3 =	vor.u32 v3, v4  }
0x8f: {  	v4 =	vperm.xlane v3, v0;
	_ =	sdelay $0x1  }
0x90: {  	v4 =	vadd.s32 v1, v4;
	_ =	sdelay $0x3  }
0x91: {  	s20 =	simm.s32 $0xF100;
	v3 =	vperm.xlane v3, v2  }
0x92: {  	[tilespmem:s20], [sflag:$0x1] =	stream.indirect_vreg.gather [hbm4b:s1+s3], $0x80, v4, vm0, $0xb8;
	[tilespmem:$0x18100] =	vst v63  }
0x93: {  	v3 =	vadd.s32 v1, v3  }
0x94: {  	[tilespmem:s21], [sflag:$0x1] =	stream.indirect_vreg.gather [hbm4b:s7+s3], $0x80, v4, vm0, $0xb8;
	[tilespmem:$0x18100] =	vst v63  }
0x95: {  	_ = 	snop  }
0x96: {  	[tilespmem:s22], [sflag:$0x1] =	stream.indirect_vreg.gather [hbm4b:s8+s3], $0x80, v4, vm0, $0xb8;
	[tilespmem:$0x18100] =	vst v63  }
0x97: {  	_ = 	snop  }
0x98: {  	[tilespmem:s23], [sflag:$0x1] =	stream.indirect_vreg.gather [hbm4b:s1+s3], $0x80, v3, vm0, $0xb8;
	[tilespmem:$0x18100] =	vst v63  }
0x99: {  	_ = 	snop  }
0x9a: {  	[tilespmem:s24], [sflag:$0x1] =	stream.indirect_vreg.gather [hbm4b:s7+s3], $0x80, v3, vm0, $0xb8;
	[tilespmem:$0x18100] =	vst v63  }
0x9b: {  	_ = 	snop  }
0x9c: {  	[tilespmem:s25], [sflag:$0x1] =	stream.indirect_vreg.gather [hbm4b:s8+s3], $0x80, v3, vm0, $0xb8;
	[tilespmem:$0x18100] =	vst v63  }
0x9d: {  	v3 =	vld [tilespmem:s19+$0x60];
	_ =	sdelay $0x4  }
0x9e: {  	v62 =	vshrl.u32 v3, $0x3  }
0x9f: {  	v4 =	vmul.u32 $0x30, v62  }
0xa0: {  	v3 =	vand.u32 $0x7, v3  }
0xa1: {  	v3 =	vor.u32 v3, v4  }
0xa2: {  	v4 =	vperm.xlane v3, v0;
	_ =	sdelay $0x1  }
0xa3: {  	v4 =	vadd.s32 v1, v4;
	_ =	sdelay $0x3  }
0xa4: {  	v3 =	vperm.xlane v3, v2  }
0xa5: {  	[tilespmem:s26], [sflag:$0x1] =	stream.indirect_vreg.gather [hbm4b:s1+s3], $0x80, v4, vm0, $0xb8;
	[tilespmem:$0x18100] =	vst v63  }
0xa6: {  	v3 =	vadd.s32 v1, v3  }
0xa7: {  	[tilespmem:s28], [sflag:$0x1] =	stream.indirect_vreg.gather [hbm4b:s7+s3], $0x80, v4, vm0, $0xb8;
	[tilespmem:$0x18100] =	vst v63  }
0xa8: {  	_ = 	snop  }
0xa9: {  	[tilespmem:s29], [sflag:$0x1] =	stream.indirect_vreg.gather [hbm4b:s8+s3], $0x80, v4, vm0, $0xb8;
	[tilespmem:$0x18100] =	vst v63  }
0xaa: {  	_ = 	snop  }
0xab: {  	[tilespmem:s30], [sflag:$0x1] =	stream.indirect_vreg.gather [hbm4b:s1+s3], $0x80, v3, vm0, $0xb8;
	[tilespmem:$0x18100] =	vst v63  }
0xac: {  	_ = 	snop  }
0xad: {  	[tilespmem:s31], [sflag:$0x1] =	stream.indirect_vreg.gather [hbm4b:s7+s3], $0x80, v3, vm0, $0xb8;
	[tilespmem:$0x18100] =	vst v63  }
0xae: {  	_ = 	snop  }
0xaf: {  	[tilespmem:s0], [sflag:$0x1] =	stream.indirect_vreg.gather [hbm4b:s8+s3], $0x80, v3, vm0, $0xb8;
	[tilespmem:$0x18100] =	vst v63  }
0xb0: {  	v3 =	vld [tilespmem:s19+$0x70];
	_ =	sdelay $0x4  }
0xb1: {  	v63 =	vshrl.u32 v3, $0x3  }
0xb2: {  	v4 =	vmul.u32 $0x30, v63  }
0xb3: {  	v3 =	vand.u32 $0x7, v3  }
0xb4: {  	v3 =	vor.u32 v3, v4  }
0xb5: {  	v4 =	vperm.xlane v3, v0;
	_ =	sdelay $0x1  }
0xb6: {  	v4 =	vadd.s32 v1, v4;
	_ =	sdelay $0x3  }
0xb7: {  	v3 =	vperm.xlane v3, v2  }
0xb8: {  	[tilespmem:s2], [sflag:$0x1] =	stream.indirect_vreg.gather [hbm4b:s1+s3], $0x80, v4, vm0, $0xb8;
	[tilespmem:$0x18100] =	vst v63  }
0xb9: {  	v3 =	vadd.s32 v1, v3  }
0xba: {  	[tilespmem:s6], [sflag:$0x1] =	stream.indirect_vreg.gather [hbm4b:s7+s3], $0x80, v4, vm0, $0xb8;
	[tilespmem:$0x18100] =	vst v63  }
0xbb: {  	_ = 	snop  }
0xbc: {  	[tilespmem:s9], [sflag:$0x1] =	stream.indirect_vreg.gather [hbm4b:s8+s3], $0x80, v4, vm0, $0xb8;
	[tilespmem:$0x18100] =	vst v63  }
0xbd: {  	s20 =	sor.u32 s4, s18  }
0xbe: {  	[tilespmem:s11], [sflag:$0x1] =	stream.indirect_vreg.gather [hbm4b:s1+s3], $0x80, v3, vm0, $0xb8;
	[tilespmem:$0x18100] =	vst v63  }
0xbf: {  	s19 =	sshrl.u32 s20, $0x3  }
0xc0: {  	[tilespmem:s15], [sflag:$0x1] =	stream.indirect_vreg.gather [hbm4b:s7+s3], $0x80, v3, vm0, $0xb8;
	[tilespmem:$0x18100] =	vst v63  }
0xc1: {  	s19 =	smul.u32 $0x300, s19  }
0xc2: {  	[tilespmem:s16], [sflag:$0x1] =	stream.indirect_vreg.gather [hbm4b:s8+s3], $0x80, v3, vm0, $0xb8;
	[tilespmem:$0x18100] =	vst v63  }
.Ltmp2:
0xc3: {  	s20 =	sadd.s32 s5, s19;
	(pc) =	sbr.rel @!p0 .LBB2_4-.Ltmp2, $4  }
0xc4: {  	[hbm4b:s20+s3] =	stream.linear.scatter [tilespmem:s12], [sflag:$0x2], $0xC000, $0x38;
	[tilespmem:$0x18100] =	vst v63  }
0xc5: {  	_ =	swait.ge [sflag:s13], $0xC000  }
0xc6: {  	[sflag:s13] =	ssyncset.done $0x0  }
0xc7: {  	[sflag:s13] =	ssyncadd.s32 $0xFFFF4000  }
0xc8: {  	_ =	swait.ge [sflag:s17], $0xC000  }
0xc9: {  	[sflag:s17] =	ssyncset.done $0x0  }
0xca: {  	[sflag:s17] =	ssyncadd.s32 $0xFFFF4000  }
0xcb: {  	v3 =	vld [tilespmem:s18+$0x80];
	_ =	sdelay $0x4  }
0xcc: {  	v4 =	vshrl.u32 v3, $0x3  }
0xcd: {  	v4 =	vmul.u32 $0x30, v4  }
0xce: {  	v3 =	vand.u32 $0x7, v3  }
0xcf: {  	v3 =	vor.u32 v3, v4  }
0xd0: {  	v4 =	vperm.xlane v3, v0;
	_ =	sdelay $0x1  }
0xd1: {  	v4 =	vadd.s32 v1, v4;
	_ =	sdelay $0x3  }
0xd2: {  	v3 =	vperm.xlane v3, v2  }
0xd3: {  	[tilespmem:s12], [sflag:$0x1] =	stream.indirect_vreg.gather [hbm4b:s1+s3], $0x80, v4, vm0, $0xb8;
	[tilespmem:$0x18100] =	vst v63  }
0xd4: {  	s20 =	simm.s32 $0x900;
	v3 =	vadd.s32 v1, v3  }
0xd5: {  	[tilespmem:s20], [sflag:$0x1] =	stream.indirect_vreg.gather [hbm4b:s7+s3], $0x80, v4, vm0, $0xb8;
	[tilespmem:$0x18100] =	vst v63  }
0xd6: {  	s20 =	simm.s32 $0x1100  }
0xd7: {  	[tilespmem:s20], [sflag:$0x1] =	stream.indirect_vreg.gather [hbm4b:s8+s3], $0x80, v4, vm0, $0xb8;
	[tilespmem:$0x18100] =	vst v63  }
0xd8: {  	s20 =	simm.s32 $0x1900  }
0xd9: {  	[tilespmem:s20], [sflag:$0x1] =	stream.indirect_vreg.gather [hbm4b:s1+s3], $0x80, v3, vm0, $0xb8;
	[tilespmem:$0x18100] =	vst v63  }
0xda: {  	s20 =	simm.s32 $0x2100  }
0xdb: {  	[tilespmem:s20], [sflag:$0x1] =	stream.indirect_vreg.gather [hbm4b:s7+s3], $0x80, v3, vm0, $0xb8;
	[tilespmem:$0x18100] =	vst v63  }
0xdc: {  	s20 =	simm.s32 $0x2900  }
0xdd: {  	[tilespmem:s20], [sflag:$0x1] =	stream.indirect_vreg.gather [hbm4b:s8+s3], $0x80, v3, vm0, $0xb8;
	[tilespmem:$0x18100] =	vst v63  }
0xde: {  	v3 =	vld [tilespmem:s18+$0x90];
	_ =	sdelay $0x4  }
0xdf: {  	v61 =	vshrl.u32 v3, $0x3  }
0xe0: {  	v4 =	vmul.u32 $0x30, v61  }
0xe1: {  	v3 =	vand.u32 $0x7, v3  }
0xe2: {  	v3 =	vor.u32 v3, v4  }
0xe3: {  	v4 =	vperm.xlane v3, v0;
	_ =	sdelay $0x1  }
0xe4: {  	v4 =	vadd.s32 v1, v4;
	_ =	sdelay $0x3  }
0xe5: {  	s20 =	simm.s32 $0x3100;
	v3 =	vperm.xlane v3, v2  }
0xe6: {  	[tilespmem:s20], [sflag:$0x1] =	stream.indirect_vreg.gather [hbm4b:s1+s3], $0x80, v4, vm0, $0xb8;
	[tilespmem:$0x18100] =	vst v63  }
0xe7: {  	v3 =	vadd.s32 v1, v3;
	s20 =	simm.s32 $0x3900  }
0xe8: {  	[tilespmem:s20], [sflag:$0x1] =	stream.indirect_vreg.gather [hbm4b:s7+s3], $0x80, v4, vm0, $0xb8;
	[tilespmem:$0x18100] =	vst v63  }
0xe9: {  	s20 =	simm.s32 $0x4100  }
0xea: {  	[tilespmem:s20], [sflag:$0x1] =	stream.indirect_vreg.gather [hbm4b:s8+s3], $0x80, v4, vm0, $0xb8;
	[tilespmem:$0x18100] =	vst v63  }
0xeb: {  	s20 =	simm.s32 $0x4900  }
0xec: {  	[tilespmem:s20], [sflag:$0x1] =	stream.indirect_vreg.gather [hbm4b:s1+s3], $0x80, v3, vm0, $0xb8;
	[tilespmem:$0x18100] =	vst v63  }
0xed: {  	s20 =	simm.s32 $0x5100  }
0xee: {  	[tilespmem:s20], [sflag:$0x1] =	stream.indirect_vreg.gather [hbm4b:s7+s3], $0x80, v3, vm0, $0xb8;
	[tilespmem:$0x18100] =	vst v63  }
0xef: {  	s20 =	simm.s32 $0x5900  }
0xf0: {  	[tilespmem:s20], [sflag:$0x1] =	stream.indirect_vreg.gather [hbm4b:s8+s3], $0x80, v3, vm0, $0xb8;
	[tilespmem:$0x18100] =	vst v63  }
0xf1: {  	v3 =	vld [tilespmem:s18+$0xA0];
	_ =	sdelay $0x4  }
0xf2: {  	v62 =	vshrl.u32 v3, $0x3  }
0xf3: {  	v4 =	vmul.u32 $0x30, v62  }
0xf4: {  	v3 =	vand.u32 $0x7, v3  }
0xf5: {  	v3 =	vor.u32 v3, v4  }
0xf6: {  	v4 =	vperm.xlane v3, v0;
	_ =	sdelay $0x1  }
0xf7: {  	v4 =	vadd.s32 v1, v4;
	_ =	sdelay $0x3  }
0xf8: {  	s20 =	simm.s32 $0x6100;
	v3 =	vperm.xlane v3, v2  }
0xf9: {  	[tilespmem:s20], [sflag:$0x1] =	stream.indirect_vreg.gather [hbm4b:s1+s3], $0x80, v4, vm0, $0xb8;
	[tilespmem:$0x18100] =	vst v63  }
0xfa: {  	v3 =	vadd.s32 v1, v3;
	s20 =	simm.s32 $0x6900  }
0xfb: {  	[tilespmem:s20], [sflag:$0x1] =	stream.indirect_vreg.gather [hbm4b:s7+s3], $0x80, v4, vm0, $0xb8;
	[tilespmem:$0x18100] =	vst v63  }
0xfc: {  	s20 =	simm.s32 $0x7100  }
0xfd: {  	[tilespmem:s20], [sflag:$0x1] =	stream.indirect_vreg.gather [hbm4b:s8+s3], $0x80, v4, vm0, $0xb8;
	[tilespmem:$0x18100] =	vst v63  }
0xfe: {  	s20 =	simm.s32 $0x7900  }
0xff: {  	[tilespmem:s20], [sflag:$0x1] =	stream.indirect_vreg.gather [hbm4b:s1+s3], $0x80, v3, vm0, $0xb8;
	[tilespmem:$0x18100] =	vst v63  }
0x100: {  	s20 =	simm.s32 $0x8100  }
0x101: {  	[tilespmem:s20], [sflag:$0x1] =	stream.indirect_vreg.gather [hbm4b:s7+s3], $0x80, v3, vm0, $0xb8;
	[tilespmem:$0x18100] =	vst v63  }
0x102: {  	s20 =	simm.s32 $0x8900  }
0x103: {  	[tilespmem:s20], [sflag:$0x1] =	stream.indirect_vreg.gather [hbm4b:s8+s3], $0x80, v3, vm0, $0xb8;
	[tilespmem:$0x18100] =	vst v63  }
0x104: {  	v3 =	vld [tilespmem:s18+$0xB0];
	_ =	sdelay $0x4  }
0x105: {  	v63 =	vshrl.u32 v3, $0x3  }
0x106: {  	v4 =	vmul.u32 $0x30, v63  }
0x107: {  	v3 =	vand.u32 $0x7, v3  }
0x108: {  	v3 =	vor.u32 v3, v4  }
0x109: {  	v4 =	vperm.xlane v3, v0;
	_ =	sdelay $0x1  }
0x10a: {  	v4 =	vadd.s32 v1, v4;
	_ =	sdelay $0x3  }
0x10b: {  	s20 =	simm.s32 $0x9100;
	v3 =	vperm.xlane v3, v2  }
0x10c: {  	[tilespmem:s20], [sflag:$0x1] =	stream.indirect_vreg.gather [hbm4b:s1+s3], $0x80, v4, vm0, $0xb8;
	[tilespmem:$0x18100] =	vst v63  }
0x10d: {  	v3 =	vadd.s32 v1, v3;
	s20 =	simm.s32 $0x9900  }
0x10e: {  	[tilespmem:s20], [sflag:$0x1] =	stream.indirect_vreg.gather [hbm4b:s7+s3], $0x80, v4, vm0, $0xb8;
	[tilespmem:$0x18100] =	vst v63  }
0x10f: {  	s20 =	simm.s32 $0xA100  }
0x110: {  	[tilespmem:s20], [sflag:$0x1] =	stream.indirect_vreg.gather [hbm4b:s8+s3], $0x80, v4, vm0, $0xb8;
	[tilespmem:$0x18100] =	vst v63  }
0x111: {  	s20 =	simm.s32 $0xA900  }
0x112: {  	[tilespmem:s20], [sflag:$0x1] =	stream.indirect_vreg.gather [hbm4b:s1+s3], $0x80, v3, vm0, $0xb8;
	[tilespmem:$0x18100] =	vst v63  }
0x113: {  	s20 =	simm.s32 $0xB100  }
0x114: {  	[tilespmem:s20], [sflag:$0x1] =	stream.indirect_vreg.gather [hbm4b:s7+s3], $0x80, v3, vm0, $0xb8;
	[tilespmem:$0x18100] =	vst v63  }
.Ltmp3:
0x115: {  	_ = 	snop;
	(pc) =	sbr.rel .LBB2_2-.Ltmp3, $4  }
0x116: {  	p0 =	por $0x0, $0x0;
	s20 =	simm.s32 $0xB900  }
0x117: {  	[tilespmem:s20], [sflag:$0x1] =	stream.indirect_vreg.gather [hbm4b:s8+s3], $0x80, v3, vm0, $0xb8;
	[tilespmem:$0x18100] =	vst v63  }
0x118: {  	p1 =	por $0x1, $0x1;
	s18 =	simm.s32 $0x1;
	s20 =	sadd.s32 s10, s19  }
0x119: {  	[hbm4b:s20+s3] =	stream.linear.scatter [tilespmem:s14], [sflag:$0x2], $0xC000, $0x38;
	[tilespmem:$0x18100] =	vst v63  }
.LBB2_5:
0x11a: {  	_ =	sfence.sel $0x180000  }
0x11b: {  	[bflag:$0x0] =	sbarrier.arrive $0xFFFF  }
0x11c: {  	_ =	strace $0x90000047  }
0x11d: {  	s0 =	stileid.u32;
	[bflag:$0x2] =	sbarrier.arrive $0xFFFF  }
0x11e: {  	p0 =	sne.s32 s0, $0x0;
	s0 =	rddreg [dreg:$0x3]  }
0x11f: {  	s0 =	sadd.s32 @!p0 $0x100000, s0  }
0x120: {  	[sflag:s0] =	ssyncadd.tile.s32 @!p0 $0x1;
	_ =	shalt  }
.Lfunc_end2:
_tile_overlayer_lowered:
.L_overlay_start_2:
0x121: {  	(tag) =	ssettag $0x2  }
0x122: {  	s0 =	rddreg [dreg:$0x0];
	s2 =	stileid.u32  }
0x123: {  	s1 =	rddreg [dreg:$0x1];
	p0 =	sne.s32 s2, $0x0  }
0x124: {  	s3 =	rddreg [dreg:$0x2];
	[bflag:$0x3] =	sbarrier.arrive $0xFFFF;
	s2 =	simm.s32 @!p0 $0x1C03  }
0x125: {  	[timem:s3], [sflag:s2] =	dma.local @!p0 [hbm:s0], s1  }
0x126: {  	s0 =	simm.s32 @!p0 $0x3  }
0x127: {  	_ =	swait.ge @!p0 [sflag:s0], s1  }
0x128: {  	s1 =	ssub.s32 @!p0 $0x0, s1;
	[sflag:s0] =	ssyncset.done @!p0 $0x0  }
0x129: {  	[sflag:s0] =	ssyncadd.s32 @!p0 s1  }
0x12a: {  	[bflag:$0x3] =	sbarrier.arrive $0xFFFF  }
0x12b: {  	_ =	shalt  }

</sc_bundles>
